<compile_context>
chip_gen: v7x
topology: tpu7x:2x2x1
jax: 0.10.2.dev20260603
libtpu: 0.0.44.dev20260713+nightly
codegen_flags: <defaults>
</compile_context>

<pallas_src>
import jax
import jax.numpy as jnp
from jax import lax
from jax.experimental import pallas as pl
from jax.experimental.pallas import tpu as pltpu
from jax.experimental.pallas import tpu_sc as plsc

NC = 2
NS = 16
L = 16
B = 80
C = 10000
R = 400


def _sc_mesh():
    return plsc.VectorSubcoreMesh(
        core_axis_name="c", subcore_axis_name="s", num_cores=NC, num_subcores=NS
    )


def _make_deg(n, e):
    accrows = n + 8
    srows = (accrows // NS) // 8 * 8
    tail = accrows - NS * srows
    wrows = (n // NS) // 8 * 8
    wtail = n - NS * wrows
    e_tile = e // (NC * NS)
    e_pad = (e_tile + B - 1) // B * B
    nb = e_pad // B

    npadv = (e_pad - (e_tile // L) * L) // L

    def body(dst_hbm, init_hbm, deg_out, didxb, ones80, acc, sem):
        c = lax.axis_index("c")
        s = lax.axis_index("s")
        pltpu.sync_copy(init_hbm.at[pl.ds(0, srows)],
                        acc.at[pl.ds(s * srows, srows)])

        @pl.when(s == 0)
        def _():
            pltpu.sync_copy(init_hbm.at[pl.ds(0, tail)],
                            acc.at[pl.ds(NS * srows, tail)])

        pltpu.sync_copy(init_hbm.at[pl.ds(srows, B)], ones80)
        for j in range(npadv):
            didxb[pl.ds(e_pad - (j + 1) * L, L)] = jnp.full((L,), n, jnp.int32)
        pltpu.sync_copy(dst_hbm.at[pl.ds((c * NS + s) * e_tile, e_tile)],
                        didxb.at[pl.ds(0, e_tile)])
        plsc.subcore_barrier()

        def batch(b, _):
            pltpu.async_copy(ones80, acc.at[didxb.at[pl.ds(b * B, B)]],
                             sem, add=True)
            return 0

        lax.fori_loop(0, nb, batch, 0)

        def drain(b, _):
            pltpu.make_async_copy(ones80, acc.at[didxb.at[pl.ds(b * B, B)]],
                                  sem).wait()
            return 0

        lax.fori_loop(0, nb, drain, 0)
        plsc.subcore_barrier()
        pltpu.sync_copy(acc.at[pl.ds(s * wrows, wrows)],
                        deg_out.at[c, pl.ds(s * wrows, wrows)])

        @pl.when(s == 0)
        def _():
            pltpu.sync_copy(acc.at[pl.ds(NS * wrows, wtail)],
                            deg_out.at[c, pl.ds(NS * wrows, wtail)])

    def run(dst):
        init_hbm = jnp.concatenate(
            [jnp.zeros((srows, L), jnp.float32),
             jnp.ones((B, L), jnp.float32)])
        return pl.kernel(
            body,
            out_type=jax.ShapeDtypeStruct((NC, n, L), jnp.float32),
            mesh=_sc_mesh(),
            scratch_types=[
                pltpu.VMEM((e_pad,), jnp.int32),
                pltpu.VMEM((B, L), jnp.float32),
                pltpu.VMEM_SHARED((accrows, L), jnp.float32),
                pltpu.SemaphoreType.DMA,
            ],
        )(dst, init_hbm)

    return run


def _make_agg(n, e):
    d2 = 128
    srows = (n // NS) // 8 * 8
    tail = n - NS * srows
    e_tile = e // NS
    cb = C // B

    def body(xn_hbm, src_hbm, dst_hbm, out_hbm,
             sidx, didx, r0, r1, acc, sg0, sg1, ss0, ss1):
        c = lax.axis_index("c")
        s = lax.axis_index("s")
        ebase = s * e_tile
        pltpu.async_copy(src_hbm.at[pl.ds(c * e + ebase, C)], sidx, sg0)
        pltpu.async_copy(dst_hbm.at[pl.ds(ebase, C)], didx, sg1)
        pltpu.sync_copy(xn_hbm.at[pl.ds(c * n + s * srows, srows)],
                        acc.at[pl.ds(s * srows, srows)])

        @pl.when(s == 0)
        def _():
            pltpu.sync_copy(xn_hbm.at[pl.ds(c * n + NS * srows, tail)],
                            acc.at[pl.ds(NS * srows, tail)])

        pltpu.make_async_copy(src_hbm.at[pl.ds(c * e + ebase, C)],
                              sidx, sg0).wait()
        pltpu.make_async_copy(dst_hbm.at[pl.ds(ebase, C)],
                              didx, sg1).wait()
        plsc.subcore_barrier()

        def fire_g(b, rows, sem):
            pltpu.async_copy(xn_hbm.at[sidx.at[pl.ds(b * B, B)]], rows, sem)

        def wait_g(b, rows, sem):
            pltpu.make_async_copy(xn_hbm.at[sidx.at[pl.ds(b * B, B)]],
                                  rows, sem).wait()

        def fire_s(b, rows, sem):
            pltpu.async_copy(rows, acc.at[didx.at[pl.ds(b * B, B)]], sem,
                             add=True)

        def wait_s(b, rows, sem):
            pltpu.make_async_copy(rows, acc.at[didx.at[pl.ds(b * B, B)]],
                                  sem).wait()

        fire_g(0, r0, sg0)

        def pair(p, _):
            b = 2 * p
            fire_g(b + 1, r1, sg1)
            wait_g(b, r0, sg0)
            fire_s(b, r0, ss0)
            wait_s(b, r0, ss0)
            fire_g(b + 2, r0, sg0)
            wait_g(b + 1, r1, sg1)
            fire_s(b + 1, r1, ss1)
            wait_s(b + 1, r1, ss1)
            return 0

        lax.fori_loop(0, (cb - 1) // 2, pair, 0)
        wait_g(cb - 1, r0, sg0)
        fire_s(cb - 1, r0, ss0)
        wait_s(cb - 1, r0, ss0)

        plsc.subcore_barrier()
        pltpu.sync_copy(acc.at[pl.ds(s * srows, srows)],
                        out_hbm.at[c, pl.ds(s * srows, srows)])

        @pl.when(s == 0)
        def _():
            pltpu.sync_copy(acc.at[pl.ds(NS * srows, tail)],
                            out_hbm.at[c, pl.ds(NS * srows, tail)])

    return pl.kernel(
        body,
        out_type=jax.ShapeDtypeStruct((NC, n, d2), jnp.float32),
        mesh=_sc_mesh(),
        scratch_types=[
            pltpu.VMEM((C,), jnp.int32),
            pltpu.VMEM((C,), jnp.int32),
            pltpu.VMEM((B, d2), jnp.float32),
            pltpu.VMEM((B, d2), jnp.float32),
            pltpu.VMEM_SHARED((n, d2), jnp.float32),
            pltpu.SemaphoreType.DMA,
            pltpu.SemaphoreType.DMA,
            pltpu.SemaphoreType.DMA,
            pltpu.SemaphoreType.DMA,
        ],
    )


def _mm1_body(x_ref, w_ref, deg_ref, xn_ref, dinv_ref):
    dinv = lax.rsqrt(deg_ref[0] + deg_ref[1] + 1.0)
    h = jnp.dot(x_ref[...], w_ref[...], preferred_element_type=jnp.float32)
    hs = h * dinv[:, :1]
    xn_ref[0] = hs[:, :128]
    xn_ref[1] = hs[:, 128:]
    dinv_ref[...] = dinv


def _mm1(x, w, deg):
    n, d = x.shape
    h = w.shape[1]
    g = n // R
    return pl.pallas_call(
        _mm1_body,
        grid=(g,),
        in_specs=[
            pl.BlockSpec((R, d), lambda i: (i, 0)),
            pl.BlockSpec((d, h), lambda i: (0, 0)),
            pl.BlockSpec((NC, R, L), lambda i: (0, i, 0)),
        ],
        out_specs=[
            pl.BlockSpec((NC, R, h // 2), lambda i: (0, i, 0)),
            pl.BlockSpec((R, L), lambda i: (i, 0)),
        ],
        out_shape=[
            jax.ShapeDtypeStruct((NC, n, h // 2), jnp.float32),
            jax.ShapeDtypeStruct((n, L), jnp.float32),
        ],
    )(x, w, deg)


def _mm2_body(agg_ref, dinv_ref, b_ref, w_ref, xn_ref):
    dinv = dinv_ref[:, :1]
    a = jnp.concatenate([agg_ref[0], agg_ref[1]], axis=1)
    a = jnp.maximum(a * dinv + b_ref[...], 0.0)
    hs = jnp.dot(a, w_ref[...], preferred_element_type=jnp.float32) * dinv
    xn_ref[0] = hs[:, :128]
    xn_ref[1] = hs[:, 128:]


def _mm2(agg, dinv, b, w):
    n = agg.shape[1]
    h = w.shape[0]
    h2 = w.shape[1]
    g = n // R
    return pl.pallas_call(
        _mm2_body,
        grid=(g,),
        in_specs=[
            pl.BlockSpec((NC, R, h // 2), lambda i: (0, i, 0)),
            pl.BlockSpec((R, L), lambda i: (i, 0)),
            pl.BlockSpec((1, h), lambda i: (0, 0)),
            pl.BlockSpec((h, h2), lambda i: (0, 0)),
        ],
        out_specs=pl.BlockSpec((NC, R, h2 // 2), lambda i: (0, i, 0)),
        out_shape=jax.ShapeDtypeStruct((NC, n, h2 // 2), jnp.float32),
    )(agg, dinv, b, w)


def _head_body(agg_ref, dinv_ref, b_ref, wf1_ref, bf1_ref, wf2_ref, bf2_ref,
               out_ref):
    dinv = dinv_ref[:, :1]
    a = jnp.concatenate([agg_ref[0], agg_ref[1]], axis=1)
    a = jnp.maximum(a * dinv + b_ref[...], 0.0)
    f = jnp.maximum(
        jnp.dot(a, wf1_ref[...], preferred_element_type=jnp.float32)
        + bf1_ref[...], 0.0)
    o = (jnp.dot(f, wf2_ref[...], preferred_element_type=jnp.float32)
         + bf2_ref[...])
    m = jnp.max(o, axis=1, keepdims=True)
    z = o - m
    out_ref[...] = z - jnp.log(jnp.sum(jnp.exp(z), axis=1, keepdims=True))


def _head(agg, dinv, b, wf1, bf1, wf2, bf2):
    n = agg.shape[1]
    h = wf1.shape[0]
    o = wf2.shape[1]
    g = n // R
    return pl.pallas_call(
        _head_body,
        grid=(g,),
        in_specs=[
            pl.BlockSpec((NC, R, h // 2), lambda i: (0, i, 0)),
            pl.BlockSpec((R, L), lambda i: (i, 0)),
            pl.BlockSpec((1, h), lambda i: (0, 0)),
            pl.BlockSpec((h, h), lambda i: (0, 0)),
            pl.BlockSpec((1, h), lambda i: (0, 0)),
            pl.BlockSpec((h, o), lambda i: (0, 0)),
            pl.BlockSpec((1, o), lambda i: (0, 0)),
        ],
        out_specs=pl.BlockSpec((R, o), lambda i: (i, 0)),
        out_shape=jax.ShapeDtypeStruct((n, o), jnp.float32),
    )(agg, dinv, b, wf1, bf1, wf2, bf2)


def kernel(x, edge_index, W1, b1, W2, b2, Wf1, bf1, Wf2, bf2):
    n, d = x.shape
    e = edge_index.shape[1]
    src = edge_index[0].astype(jnp.int32)
    dst = edge_index[1].astype(jnp.int32)
    src2 = jnp.concatenate([src, src + jnp.int32(n)])

    agg = _make_agg(n, e)
    deg = _make_deg(n, e)(dst)
    xn1, dinv = _mm1(x, W1, deg)
    agg1 = agg(xn1.reshape(NC * n, 128), src2, dst)
    xn2 = _mm2(agg1, dinv, b1.reshape(1, -1), W2)
    agg2 = agg(xn2.reshape(NC * n, 128), src2, dst)
    return _head(agg2, dinv, b2.reshape(1, -1), Wf1,
                 bf1.reshape(1, -1), Wf2, bf2.reshape(1, -1))

# --- scband reference (transcript-rebuilt; emitter-appended) ---
"""Pipeline reference for scband-gnn-82179904241897 (READ-ONLY COPY).

The authoritative reference and input builder live on the scoring server;
editing this copy changes nothing except your own understanding.
"""

import jax, jax.numpy as jnp
import numpy as np

N = 10000
E = 160000
D = 256
H = 256
O = 64


def _glorot_linear(key, fan_in, fan_out):
    # mimic torch Linear default init (kaiming uniform-ish bound)
    bound = 1.0 / np.sqrt(fan_in)
    kw, kb = jax.random.split(key)
    W = jax.random.uniform(kw, (fan_in, fan_out), minval=-bound, maxval=bound, dtype=jnp.float32)
    b = jax.random.uniform(kb, (fan_out,), minval=-bound, maxval=bound, dtype=jnp.float32)
    return W, b


def setup_inputs(seed: int = 0) -> dict:
    key = jax.random.key(seed)
    ks = jax.random.split(key, 6)
    x = jax.random.normal(ks[0], (N, D), dtype=jnp.float32)
    edge_index = jax.random.randint(ks[1], (2, E), 0, N, dtype=jnp.int32).astype(jnp.int64)
    W1, b1 = _glorot_linear(ks[2], D, H)
    W2, b2 = _glorot_linear(ks[3], H, H)
    Wf1, bf1 = _glorot_linear(ks[4], H, H)
    Wf2, bf2 = _glorot_linear(ks[5], H, O)
    return {"x": x, "edge_index": edge_index, "W1": W1, "b1": b1, "W2": W2, "b2": b2,
            "Wf1": Wf1, "bf1": bf1, "Wf2": Wf2, "bf2": bf2}


def gcn_conv(x, edge_index, W, b):
    # PyG GCNConv: add self-loops, symmetric deg^{-1/2} normalization, linear, scatter-add
    n = x.shape[0]
    loop = jnp.arange(n, dtype=edge_index.dtype)
    src = jnp.concatenate([edge_index[0], loop])
    dst = jnp.concatenate([edge_index[1], loop])
    deg = jnp.zeros((n,), x.dtype).at[dst].add(1.0)
    dinv = jnp.where(deg > 0, deg ** -0.5, 0.0)
    norm = dinv[src] * dinv[dst]
    h = x @ W
    msg = h[src] * norm[:, None]
    out = jnp.zeros((n, W.shape[1]), x.dtype).at[dst].add(msg)
    return out + b


def reference(x, edge_index, W1, b1, W2, b2, Wf1, bf1, Wf2, bf2):
    h = jax.nn.relu(gcn_conv(x, edge_index, W1, b1))
    h = jax.nn.relu(gcn_conv(h, edge_index, W2, b2))
    # dropout is identity in eval mode (training=False)
    h = jax.nn.relu(h @ Wf1 + bf1)
    out = h @ Wf2 + bf2
    return jax.nn.log_softmax(out, axis=1)

if __name__ == "__main__":
    import jax
    _d = setup_inputs()
    print(jax.jit(kernel)(*tuple(_d.values())))

</pallas_src>

<mosaic_0001>
#map = affine_map<(d0, d1) -> (0)>
#map1 = affine_map<(d0, d1) -> (0, 0)>
#map2 = affine_map<(d0, d1) -> (0, 0, 0)>
module attributes {stable_mosaic.version = 14 : i64} {
  func.func @body(%arg0: i32, %arg1: i32, %arg2: memref<160000xi32, #tpu.memory_space<hbm>>, %arg3: memref<704x16xf32, #tpu.memory_space<hbm>>, %arg4: memref<2x10000x16xf32, #tpu.memory_space<hbm>>, %arg5: memref<5040xi32, #tpu.memory_space<vmem>>, %arg6: memref<80x16xf32, #tpu.memory_space<vmem>>, %arg7: memref<10008x16xf32, #tpu.memory_space<vmem_shared>>, %arg8: memref<!tpu.dma_semaphore, #tpu.memory_space<semaphore_mem>>) attributes {dimension_semantics = [#tpu.dimension_semantics<core_parallel>, #tpu.dimension_semantics<subcore_parallel>], iteration_bounds = array<i64: 2, 16>, scalar_prefetch = 0 : i64, scratch_operands = 4 : i64, tpu.core_type = #tpu.core_type<sc_vector_subcore>, window_params = [{transform_indices = #map}, {transform_indices = #map1}, {transform_indices = #map2}]} {
    %mul3A = arith.constant 624 : i32
    %mul3A_0 = arith.muli %arg1, %mul3A : i32
    "tpu.region"() ({
      %run_scoped3A = tpu.sem_alloc : memref<!tpu.dma_semaphore, #tpu.memory_space<semaphore_mem>>
      %dma_start3A = arith.constant 0 : i32
      %dma_start3A_46 = tpu.memref_slice %arg7[%mul3A_0, %dma_start3A] : memref<10008x16xf32, #tpu.memory_space<vmem_shared>> -> memref<624x16xf32, #tpu.memory_space<vmem_shared>>
      %dma_start3A_47 = arith.constant 0 : i32
      %dma_start3A_48 = arith.constant 0 : i32
      %dma_start3A_49 = tpu.memref_slice %arg3[%dma_start3A_47, %dma_start3A_48] : memref<704x16xf32, #tpu.memory_space<hbm>> -> memref<624x16xf32, #tpu.memory_space<hbm>>
      tpu.enqueue_dma source(%dma_start3A_49 : memref<624x16xf32, #tpu.memory_space<hbm>>) target(%dma_start3A_46 : memref<624x16xf32, #tpu.memory_space<vmem_shared>>) target_semaphore(%run_scoped3A : memref<!tpu.dma_semaphore, #tpu.memory_space<semaphore_mem>>)
      %dma_wait3A = arith.constant 0 : i32
      %dma_wait3A_50 = tpu.memref_slice %arg7[%mul3A_0, %dma_wait3A] : memref<10008x16xf32, #tpu.memory_space<vmem_shared>> -> memref<624x16xf32, #tpu.memory_space<vmem_shared>>
      %dma_wait3A_51 = arith.constant 0 : i32
      %dma_wait3A_52 = arith.constant 0 : i32
      %dma_wait3A_53 = tpu.memref_slice %arg3[%dma_wait3A_51, %dma_wait3A_52] : memref<704x16xf32, #tpu.memory_space<hbm>> -> memref<624x16xf32, #tpu.memory_space<hbm>>
      tpu.wait_dma2 semaphore(%run_scoped3A : memref<!tpu.dma_semaphore, #tpu.memory_space<semaphore_mem>>) src(%dma_wait3A_53 : memref<624x16xf32, #tpu.memory_space<hbm>>) dst(%dma_wait3A_50 : memref<624x16xf32, #tpu.memory_space<vmem_shared>>)
      tpu.yield
    }) : () -> ()
    %eq3A = arith.constant 0 : i32
    %eq3A_1 = arith.cmpi eq, %arg1, %eq3A : i32
    %convert_element_type3A = arith.extui %eq3A_1 : i1 to i32
    %cond3A = arith.constant 0 : i32
    %cond3A_2 = arith.cmpi ne, %convert_element_type3A, %cond3A : i32
    scf.if %cond3A_2 {
      "tpu.region"() ({
        %run_scoped3A = tpu.sem_alloc : memref<!tpu.dma_semaphore, #tpu.memory_space<semaphore_mem>>
        %dma_start3A = arith.constant 9984 : i32
        %dma_start3A_46 = arith.constant 0 : i32
        %dma_start3A_47 = tpu.memref_slice %arg7[%dma_start3A, %dma_start3A_46] : memref<10008x16xf32, #tpu.memory_space<vmem_shared>> -> memref<24x16xf32, #tpu.memory_space<vmem_shared>>
        %dma_start3A_48 = arith.constant 0 : i32
        %dma_start3A_49 = arith.constant 0 : i32
        %dma_start3A_50 = tpu.memref_slice %arg3[%dma_start3A_48, %dma_start3A_49] : memref<704x16xf32, #tpu.memory_space<hbm>> -> memref<24x16xf32, #tpu.memory_space<hbm>>
        tpu.enqueue_dma source(%dma_start3A_50 : memref<24x16xf32, #tpu.memory_space<hbm>>) target(%dma_start3A_47 : memref<24x16xf32, #tpu.memory_space<vmem_shared>>) target_semaphore(%run_scoped3A : memref<!tpu.dma_semaphore, #tpu.memory_space<semaphore_mem>>)
        %dma_wait3A = arith.constant 9984 : i32
        %dma_wait3A_51 = arith.constant 0 : i32
        %dma_wait3A_52 = tpu.memref_slice %arg7[%dma_wait3A, %dma_wait3A_51] : memref<10008x16xf32, #tpu.memory_space<vmem_shared>> -> memref<24x16xf32, #tpu.memory_space<vmem_shared>>
        %dma_wait3A_53 = arith.constant 0 : i32
        %dma_wait3A_54 = arith.constant 0 : i32
        %dma_wait3A_55 = tpu.memref_slice %arg3[%dma_wait3A_53, %dma_wait3A_54] : memref<704x16xf32, #tpu.memory_space<hbm>> -> memref<24x16xf32, #tpu.memory_space<hbm>>
        tpu.wait_dma2 semaphore(%run_scoped3A : memref<!tpu.dma_semaphore, #tpu.memory_space<semaphore_mem>>) src(%dma_wait3A_55 : memref<24x16xf32, #tpu.memory_space<hbm>>) dst(%dma_wait3A_52 : memref<24x16xf32, #tpu.memory_space<vmem_shared>>)
        tpu.yield
      }) : () -> ()
    } else {
    }
    "tpu.region"() ({
      %run_scoped3A = tpu.sem_alloc : memref<!tpu.dma_semaphore, #tpu.memory_space<semaphore_mem>>
      %dma_start3A = arith.constant 624 : i32
      %dma_start3A_46 = arith.constant 0 : i32
      %dma_start3A_47 = tpu.memref_slice %arg3[%dma_start3A, %dma_start3A_46] : memref<704x16xf32, #tpu.memory_space<hbm>> -> memref<80x16xf32, #tpu.memory_space<hbm>>
      %dma_start3A_48 = arith.constant 624 : i32
      %dma_start3A_49 = arith.constant 0 : i32
      %dma_start3A_50 = tpu.memref_slice %arg3[%dma_start3A_48, %dma_start3A_49] : memref<704x16xf32, #tpu.memory_space<hbm>> -> memref<80x16xf32, #tpu.memory_space<hbm>>
      tpu.enqueue_dma source(%dma_start3A_50 : memref<80x16xf32, #tpu.memory_space<hbm>>) target(%arg6 : memref<80x16xf32, #tpu.memory_space<vmem>>) target_semaphore(%run_scoped3A : memref<!tpu.dma_semaphore, #tpu.memory_space<semaphore_mem>>)
      %dma_wait3A = arith.constant 624 : i32
      %dma_wait3A_51 = arith.constant 0 : i32
      %dma_wait3A_52 = tpu.memref_slice %arg3[%dma_wait3A, %dma_wait3A_51] : memref<704x16xf32, #tpu.memory_space<hbm>> -> memref<80x16xf32, #tpu.memory_space<hbm>>
      %dma_wait3A_53 = arith.constant 624 : i32
      %dma_wait3A_54 = arith.constant 0 : i32
      %dma_wait3A_55 = tpu.memref_slice %arg3[%dma_wait3A_53, %dma_wait3A_54] : memref<704x16xf32, #tpu.memory_space<hbm>> -> memref<80x16xf32, #tpu.memory_space<hbm>>
      tpu.wait_dma2 semaphore(%run_scoped3A : memref<!tpu.dma_semaphore, #tpu.memory_space<semaphore_mem>>) src(%dma_wait3A_55 : memref<80x16xf32, #tpu.memory_space<hbm>>) dst(%arg6 : memref<80x16xf32, #tpu.memory_space<vmem>>)
      tpu.yield
    }) : () -> ()
    %broadcast_in_dim3A = arith.constant 10000 : i32
    %broadcast_in_dim3A_3 = vector.broadcast %broadcast_in_dim3A : i32 to vector<16xi32>
    %swap3A = arith.constant 5024 : index
    %swap3A_4 = tpu.vector_load %arg5[%swap3A] {strides = array<i32>} : memref<5040xi32, #tpu.memory_space<vmem>>, vector<16xi32>,
    %swap3A_5 = vector.shape_cast %swap3A_4 : vector<16xi32> to vector<16xi32>
    %swap3A_6 = vector.shape_cast %broadcast_in_dim3A_3 : vector<16xi32> to vector<16xi32>
    tpu.vector_store %arg5[%swap3A], %swap3A_6 {strides = array<i32>} : memref<5040xi32, #tpu.memory_space<vmem>>, vector<16xi32>,
    %broadcast_in_dim3A_7 = arith.constant 10000 : i32
    %broadcast_in_dim3A_8 = vector.broadcast %broadcast_in_dim3A_7 : i32 to vector<16xi32>
    %swap3A_9 = arith.constant 5008 : index
    %swap3A_10 = tpu.vector_load %arg5[%swap3A_9] {strides = array<i32>} : memref<5040xi32, #tpu.memory_space<vmem>>, vector<16xi32>,
    %swap3A_11 = vector.shape_cast %swap3A_10 : vector<16xi32> to vector<16xi32>
    %swap3A_12 = vector.shape_cast %broadcast_in_dim3A_8 : vector<16xi32> to vector<16xi32>
    tpu.vector_store %arg5[%swap3A_9], %swap3A_12 {strides = array<i32>} : memref<5040xi32, #tpu.memory_space<vmem>>, vector<16xi32>,
    %broadcast_in_dim3A_13 = arith.constant 10000 : i32
    %broadcast_in_dim3A_14 = vector.broadcast %broadcast_in_dim3A_13 : i32 to vector<16xi32>
    %swap3A_15 = arith.constant 4992 : index
    %swap3A_16 = tpu.vector_load %arg5[%swap3A_15] {strides = array<i32>} : memref<5040xi32, #tpu.memory_space<vmem>>, vector<16xi32>,
    %swap3A_17 = vector.shape_cast %swap3A_16 : vector<16xi32> to vector<16xi32>
    %swap3A_18 = vector.shape_cast %broadcast_in_dim3A_14 : vector<16xi32> to vector<16xi32>
    tpu.vector_store %arg5[%swap3A_15], %swap3A_18 {strides = array<i32>} : memref<5040xi32, #tpu.memory_space<vmem>>, vector<16xi32>,
    %mul3A_19 = arith.constant 16 : i32
    %mul3A_20 = arith.muli %arg0, %mul3A_19 : i32
    %add3A = arith.addi %mul3A_20, %arg1 : i32
    %mul3A_21 = arith.constant 5000 : i32
    %mul3A_22 = arith.muli %add3A, %mul3A_21 : i32
    "tpu.region"() ({
      %run_scoped3A = tpu.sem_alloc : memref<!tpu.dma_semaphore, #tpu.memory_space<semaphore_mem>>
      %dma_start3A = arith.constant 0 : i32
      %dma_start3A_46 = tpu.memref_slice %arg5[%dma_start3A] : memref<5040xi32, #tpu.memory_space<vmem>> -> memref<5000xi32, #tpu.memory_space<vmem>>
      %dma_start3A_47 = tpu.memref_slice %arg2[%mul3A_22] : memref<160000xi32, #tpu.memory_space<hbm>> -> memref<5000xi32, #tpu.memory_space<hbm>>
      %dma_start3A_48 = arith.constant 0 : i32
      %dma_start3A_49 = tpu.memref_slice %arg5[%dma_start3A_48] : memref<5040xi32, #tpu.memory_space<vmem>> -> memref<5000xi32, #tpu.memory_space<vmem>>
      %dma_start3A_50 = tpu.memref_slice %arg2[%mul3A_22] : memref<160000xi32, #tpu.memory_space<hbm>> -> memref<5000xi32, #tpu.memory_space<hbm>>
      tpu.enqueue_dma source(%dma_start3A_50 : memref<5000xi32, #tpu.memory_space<hbm>>) target(%dma_start3A_49 : memref<5000xi32, #tpu.memory_space<vmem>>) target_semaphore(%run_scoped3A : memref<!tpu.dma_semaphore, #tpu.memory_space<semaphore_mem>>)
      %dma_wait3A = arith.constant 0 : i32
      %dma_wait3A_51 = tpu.memref_slice %arg5[%dma_wait3A] : memref<5040xi32, #tpu.memory_space<vmem>> -> memref<5000xi32, #tpu.memory_space<vmem>>
      %dma_wait3A_52 = tpu.memref_slice %arg2[%mul3A_22] : memref<160000xi32, #tpu.memory_space<hbm>> -> memref<5000xi32, #tpu.memory_space<hbm>>
      %dma_wait3A_53 = arith.constant 0 : i32
      %dma_wait3A_54 = tpu.memref_slice %arg5[%dma_wait3A_53] : memref<5040xi32, #tpu.memory_space<vmem>> -> memref<5000xi32, #tpu.memory_space<vmem>>
      %dma_wait3A_55 = tpu.memref_slice %arg2[%mul3A_22] : memref<160000xi32, #tpu.memory_space<hbm>> -> memref<5000xi32, #tpu.memory_space<hbm>>
      tpu.wait_dma2 semaphore(%run_scoped3A : memref<!tpu.dma_semaphore, #tpu.memory_space<semaphore_mem>>) src(%dma_wait3A_55 : memref<5000xi32, #tpu.memory_space<hbm>>) dst(%dma_wait3A_54 : memref<5000xi32, #tpu.memory_space<vmem>>)
      tpu.yield
    }) : () -> ()
    %barrier3A = arith.constant 0 : index
    tpu.barrier barrier_id(%barrier3A)
    %scan3A = arith.constant 0 : i32
    %scan3A_23 = arith.constant 0 : i32
    %scan3A_24 = arith.constant 63 : i32
    %scan3A_25 = arith.addi %scan3A_23, %scan3A_24 : i32
    %scan3A_26 = arith.constant 1 : i32
    %scan3A_27 = scf.for %scan3A_46 = %scan3A_23 to %scan3A_25 step %scan3A_26 iter_args(%scan3A_47 = %scan3A) -> (i32)  : i32 {
      %mul3A_48 = arith.constant 80 : i32
      %mul3A_49 = arith.muli %scan3A_46, %mul3A_48 : i32
      %dma_start3A = tpu.memref_slice %arg5[%mul3A_49] : memref<5040xi32, #tpu.memory_space<vmem>> -> memref<80xi32, #tpu.memory_space<vmem>>
      %dma_start3A_50 = arith.constant 0 : i32
      %dma_start3A_51 = arith.constant 0 : i32
      %dma_start3A_52 = tpu.memref_slice %arg7[%dma_start3A_50, %dma_start3A_51] : memref<10008x16xf32, #tpu.memory_space<vmem_shared>> -> memref<10008x16xf32, #tpu.memory_space<vmem_shared>>
      tpu.enqueue_indirect_dma source(%arg6 : memref<80x16xf32, #tpu.memory_space<vmem>>) target(%dma_start3A_52 : memref<10008x16xf32, #tpu.memory_space<vmem_shared>>) offsets(%dma_start3A : memref<80xi32, #tpu.memory_space<vmem>>) semaphore(%arg8 : memref<!tpu.dma_semaphore, #tpu.memory_space<semaphore_mem>>) {add = true}
      %scan3A_53 = arith.constant 0 : i32
      scf.yield %scan3A_53 : i32
    }
    %scan3A_28 = arith.constant 63 : i32
    %scan3A_29 = arith.constant 0 : i32
    %scan3A_30 = arith.constant 0 : i32
    %scan3A_31 = arith.constant 63 : i32
    %scan3A_32 = arith.addi %scan3A_30, %scan3A_31 : i32
    %scan3A_33 = arith.constant 1 : i32
    %scan3A_34 = scf.for %scan3A_46 = %scan3A_30 to %scan3A_32 step %scan3A_33 iter_args(%scan3A_47 = %scan3A_29) -> (i32)  : i32 {
      %mul3A_48 = arith.constant 80 : i32
      %mul3A_49 = arith.muli %scan3A_46, %mul3A_48 : i32
      %dma_wait3A = tpu.memref_slice %arg5[%mul3A_49] : memref<5040xi32, #tpu.memory_space<vmem>> -> memref<80xi32, #tpu.memory_space<vmem>>
      %dma_wait3A_50 = arith.constant 0 : i32
      %dma_wait3A_51 = arith.constant 0 : i32
      %dma_wait3A_52 = tpu.memref_slice %arg7[%dma_wait3A_50, %dma_wait3A_51] : memref<10008x16xf32, #tpu.memory_space<vmem_shared>> -> memref<10008x16xf32, #tpu.memory_space<vmem_shared>>
      tpu.wait_indirect_dma semaphore(%arg8 : memref<!tpu.dma_semaphore, #tpu.memory_space<semaphore_mem>>) src(%arg6 : memref<80x16xf32, #tpu.memory_space<vmem>>) dst(%dma_wait3A_52 : memref<10008x16xf32, #tpu.memory_space<vmem_shared>>)
      %scan3A_53 = arith.constant 0 : i32
      scf.yield %scan3A_53 : i32
    }
    %scan3A_35 = arith.constant 63 : i32
    %barrier3A_36 = arith.constant 0 : index
    tpu.barrier barrier_id(%barrier3A_36)
    %mul3A_37 = arith.constant 624 : i32
    %mul3A_38 = arith.muli %arg1, %mul3A_37 : i32
    %mul3A_39 = arith.constant 624 : i32
    %mul3A_40 = arith.muli %arg1, %mul3A_39 : i32
    "tpu.region"() ({
      %run_scoped3A = tpu.sem_alloc : memref<!tpu.dma_semaphore, #tpu.memory_space<semaphore_mem>>
      %dma_start3A = arith.constant 0 : i32
      %dma_start3A_46 = tpu.memref_slice %arg4[%arg0, %mul3A_40, %dma_start3A] : memref<2x10000x16xf32, #tpu.memory_space<hbm>> -> memref<1x624x16xf32, #tpu.memory_space<hbm>>
      %dma_start3A_47 = tpu.memref_squeeze %dma_start3A_46 : memref<1x624x16xf32, #tpu.memory_space<hbm>> -> memref<624x16xf32, #tpu.memory_space<hbm>>
      %dma_start3A_48 = arith.constant 0 : i32
      %dma_start3A_49 = tpu.memref_slice %arg7[%mul3A_38, %dma_start3A_48] : memref<10008x16xf32, #tpu.memory_space<vmem_shared>> -> memref<624x16xf32, #tpu.memory_space<vmem_shared>>
      tpu.enqueue_dma source(%dma_start3A_49 : memref<624x16xf32, #tpu.memory_space<vmem_shared>>) target(%dma_start3A_47 : memref<624x16xf32, #tpu.memory_space<hbm>>) target_semaphore(%run_scoped3A : memref<!tpu.dma_semaphore, #tpu.memory_space<semaphore_mem>>)
      %dma_wait3A = arith.constant 0 : i32
      %dma_wait3A_50 = tpu.memref_slice %arg4[%arg0, %mul3A_40, %dma_wait3A] : memref<2x10000x16xf32, #tpu.memory_space<hbm>> -> memref<1x624x16xf32, #tpu.memory_space<hbm>>
      %dma_wait3A_51 = tpu.memref_squeeze %dma_wait3A_50 : memref<1x624x16xf32, #tpu.memory_space<hbm>> -> memref<624x16xf32, #tpu.memory_space<hbm>>
      %dma_wait3A_52 = arith.constant 0 : i32
      %dma_wait3A_53 = tpu.memref_slice %arg7[%mul3A_38, %dma_wait3A_52] : memref<10008x16xf32, #tpu.memory_space<vmem_shared>> -> memref<624x16xf32, #tpu.memory_space<vmem_shared>>
      tpu.wait_dma2 semaphore(%run_scoped3A : memref<!tpu.dma_semaphore, #tpu.memory_space<semaphore_mem>>) src(%dma_wait3A_53 : memref<624x16xf32, #tpu.memory_space<vmem_shared>>) dst(%dma_wait3A_51 : memref<624x16xf32, #tpu.memory_space<hbm>>)
      tpu.yield
    }) : () -> ()
    %eq3A_41 = arith.constant 0 : i32
    %eq3A_42 = arith.cmpi eq, %arg1, %eq3A_41 : i32
    %convert_element_type3A_43 = arith.extui %eq3A_42 : i1 to i32
    %cond3A_44 = arith.constant 0 : i32
    %cond3A_45 = arith.cmpi ne, %convert_element_type3A_43, %cond3A_44 : i32
    scf.if %cond3A_45 {
      "tpu.region"() ({
        %run_scoped3A = tpu.sem_alloc : memref<!tpu.dma_semaphore, #tpu.memory_space<semaphore_mem>>
        %dma_start3A = arith.constant 9984 : i32
        %dma_start3A_46 = arith.constant 0 : i32
        %dma_start3A_47 = tpu.memref_slice %arg4[%arg0, %dma_start3A, %dma_start3A_46] : memref<2x10000x16xf32, #tpu.memory_space<hbm>> -> memref<1x16x16xf32, #tpu.memory_space<hbm>>
        %dma_start3A_48 = tpu.memref_squeeze %dma_start3A_47 : memref<1x16x16xf32, #tpu.memory_space<hbm>> -> memref<16x16xf32, #tpu.memory_space<hbm>>
        %dma_start3A_49 = arith.constant 9984 : i32
        %dma_start3A_50 = arith.constant 0 : i32
        %dma_start3A_51 = tpu.memref_slice %arg7[%dma_start3A_49, %dma_start3A_50] : memref<10008x16xf32, #tpu.memory_space<vmem_shared>> -> memref<16x16xf32, #tpu.memory_space<vmem_shared>>
        tpu.enqueue_dma source(%dma_start3A_51 : memref<16x16xf32, #tpu.memory_space<vmem_shared>>) target(%dma_start3A_48 : memref<16x16xf32, #tpu.memory_space<hbm>>) target_semaphore(%run_scoped3A : memref<!tpu.dma_semaphore, #tpu.memory_space<semaphore_mem>>)
        %dma_wait3A = arith.constant 9984 : i32
        %dma_wait3A_52 = arith.constant 0 : i32
        %dma_wait3A_53 = tpu.memref_slice %arg4[%arg0, %dma_wait3A, %dma_wait3A_52] : memref<2x10000x16xf32, #tpu.memory_space<hbm>> -> memref<1x16x16xf32, #tpu.memory_space<hbm>>
        %dma_wait3A_54 = tpu.memref_squeeze %dma_wait3A_53 : memref<1x16x16xf32, #tpu.memory_space<hbm>> -> memref<16x16xf32, #tpu.memory_space<hbm>>
        %dma_wait3A_55 = arith.constant 9984 : i32
        %dma_wait3A_56 = arith.constant 0 : i32
        %dma_wait3A_57 = tpu.memref_slice %arg7[%dma_wait3A_55, %dma_wait3A_56] : memref<10008x16xf32, #tpu.memory_space<vmem_shared>> -> memref<16x16xf32, #tpu.memory_space<vmem_shared>>
        tpu.wait_dma2 semaphore(%run_scoped3A : memref<!tpu.dma_semaphore, #tpu.memory_space<semaphore_mem>>) src(%dma_wait3A_57 : memref<16x16xf32, #tpu.memory_space<vmem_shared>>) dst(%dma_wait3A_54 : memref<16x16xf32, #tpu.memory_space<hbm>>)
        tpu.yield
      }) : () -> ()
    } else {
    }
    return
  }
}

#map = affine_map<(d0, d1) -> (0, 0)>
#map1 = affine_map<(d0, d1) -> (0)>
#map2 = affine_map<(d0, d1) -> (0, 0, 0)>
module attributes {stable_mosaic.version = 14 : i64} {
  func.func @body(%arg0: i32, %arg1: i32, %arg2: memref<20000x128xf32, #tpu.memory_space<hbm>>, %arg3: memref<320000xi32, #tpu.memory_space<hbm>>, %arg4: memref<160000xi32, #tpu.memory_space<hbm>>, %arg5: memref<2x10000x128xf32, #tpu.memory_space<hbm>>, %arg6: memref<10000xi32, #tpu.memory_space<vmem>>, %arg7: memref<10000xi32, #tpu.memory_space<vmem>>, %arg8: memref<80x128xf32, #tpu.memory_space<vmem>>, %arg9: memref<80x128xf32, #tpu.memory_space<vmem>>, %arg10: memref<10000x128xf32, #tpu.memory_space<vmem_shared>>, %arg11: memref<!tpu.dma_semaphore, #tpu.memory_space<semaphore_mem>>, %arg12: memref<!tpu.dma_semaphore, #tpu.memory_space<semaphore_mem>>, %arg13: memref<!tpu.dma_semaphore, #tpu.memory_space<semaphore_mem>>, %arg14: memref<!tpu.dma_semaphore, #tpu.memory_space<semaphore_mem>>) attributes {dimension_semantics = [#tpu.dimension_semantics<core_parallel>, #tpu.dimension_semantics<subcore_parallel>], iteration_bounds = array<i64: 2, 16>, scalar_prefetch = 0 : i64, scratch_operands = 9 : i64, tpu.core_type = #tpu.core_type<sc_vector_subcore>, window_params = [{transform_indices = #map}, {transform_indices = #map1}, {transform_indices = #map1}, {transform_indices = #map2}]} {
    %mul3A = arith.constant 10000 : i32
    %mul3A_0 = arith.muli %arg1, %mul3A : i32
    %mul3A_1 = arith.constant 160000 : i32
    %mul3A_2 = arith.muli %arg0, %mul3A_1 : i32
    %add3A = arith.addi %mul3A_2, %mul3A_0 : i32
    %dma_start3A = tpu.memref_slice %arg3[%add3A] : memref<320000xi32, #tpu.memory_space<hbm>> -> memref<10000xi32, #tpu.memory_space<hbm>>
    %dma_start3A_3 = tpu.memref_slice %arg3[%add3A] : memref<320000xi32, #tpu.memory_space<hbm>> -> memref<10000xi32, #tpu.memory_space<hbm>>
    tpu.enqueue_dma source(%dma_start3A_3 : memref<10000xi32, #tpu.memory_space<hbm>>) target(%arg6 : memref<10000xi32, #tpu.memory_space<vmem>>) target_semaphore(%arg11 : memref<!tpu.dma_semaphore, #tpu.memory_space<semaphore_mem>>)
    %dma_start3A_4 = tpu.memref_slice %arg4[%mul3A_0] : memref<160000xi32, #tpu.memory_space<hbm>> -> memref<10000xi32, #tpu.memory_space<hbm>>
    %dma_start3A_5 = tpu.memref_slice %arg4[%mul3A_0] : memref<160000xi32, #tpu.memory_space<hbm>> -> memref<10000xi32, #tpu.memory_space<hbm>>
    tpu.enqueue_dma source(%dma_start3A_5 : memref<10000xi32, #tpu.memory_space<hbm>>) target(%arg7 : memref<10000xi32, #tpu.memory_space<vmem>>) target_semaphore(%arg12 : memref<!tpu.dma_semaphore, #tpu.memory_space<semaphore_mem>>)
    %mul3A_6 = arith.constant 10000 : i32
    %mul3A_7 = arith.muli %arg0, %mul3A_6 : i32
    %mul3A_8 = arith.constant 624 : i32
    %mul3A_9 = arith.muli %arg1, %mul3A_8 : i32
    %add3A_10 = arith.addi %mul3A_7, %mul3A_9 : i32
    %mul3A_11 = arith.constant 624 : i32
    %mul3A_12 = arith.muli %arg1, %mul3A_11 : i32
    "tpu.region"() ({
      %run_scoped3A = tpu.sem_alloc : memref<!tpu.dma_semaphore, #tpu.memory_space<semaphore_mem>>
      %dma_start3A_57 = arith.constant 0 : i32
      %dma_start3A_58 = tpu.memref_slice %arg10[%mul3A_12, %dma_start3A_57] : memref<10000x128xf32, #tpu.memory_space<vmem_shared>> -> memref<624x128xf32, #tpu.memory_space<vmem_shared>>
      %dma_start3A_59 = arith.constant 0 : i32
      %dma_start3A_60 = tpu.memref_slice %arg2[%add3A_10, %dma_start3A_59] : memref<20000x128xf32, #tpu.memory_space<hbm>> -> memref<624x128xf32, #tpu.memory_space<hbm>>
      tpu.enqueue_dma source(%dma_start3A_60 : memref<624x128xf32, #tpu.memory_space<hbm>>) target(%dma_start3A_58 : memref<624x128xf32, #tpu.memory_space<vmem_shared>>) target_semaphore(%run_scoped3A : memref<!tpu.dma_semaphore, #tpu.memory_space<semaphore_mem>>)
      %dma_wait3A_61 = arith.constant 0 : i32
      %dma_wait3A_62 = tpu.memref_slice %arg10[%mul3A_12, %dma_wait3A_61] : memref<10000x128xf32, #tpu.memory_space<vmem_shared>> -> memref<624x128xf32, #tpu.memory_space<vmem_shared>>
      %dma_wait3A_63 = arith.constant 0 : i32
      %dma_wait3A_64 = tpu.memref_slice %arg2[%add3A_10, %dma_wait3A_63] : memref<20000x128xf32, #tpu.memory_space<hbm>> -> memref<624x128xf32, #tpu.memory_space<hbm>>
      tpu.wait_dma2 semaphore(%run_scoped3A : memref<!tpu.dma_semaphore, #tpu.memory_space<semaphore_mem>>) src(%dma_wait3A_64 : memref<624x128xf32, #tpu.memory_space<hbm>>) dst(%dma_wait3A_62 : memref<624x128xf32, #tpu.memory_space<vmem_shared>>)
      tpu.yield
    }) : () -> ()
    %eq3A = arith.constant 0 : i32
    %eq3A_13 = arith.cmpi eq, %arg1, %eq3A : i32
    %convert_element_type3A = arith.extui %eq3A_13 : i1 to i32
    %cond3A = arith.constant 0 : i32
    %cond3A_14 = arith.cmpi ne, %convert_element_type3A, %cond3A : i32
    scf.if %cond3A_14 {
      %mul3A_57 = arith.constant 10000 : i32
      %mul3A_58 = arith.muli %arg0, %mul3A_57 : i32
      %add3A_59 = arith.constant 9984 : i32
      %add3A_60 = arith.addi %mul3A_58, %add3A_59 : i32
      "tpu.region"() ({
        %run_scoped3A = tpu.sem_alloc : memref<!tpu.dma_semaphore, #tpu.memory_space<semaphore_mem>>
        %dma_start3A_61 = arith.constant 9984 : i32
        %dma_start3A_62 = arith.constant 0 : i32
        %dma_start3A_63 = tpu.memref_slice %arg10[%dma_start3A_61, %dma_start3A_62] : memref<10000x128xf32, #tpu.memory_space<vmem_shared>> -> memref<16x128xf32, #tpu.memory_space<vmem_shared>>
        %dma_start3A_64 = arith.constant 0 : i32
        %dma_start3A_65 = tpu.memref_slice %arg2[%add3A_60, %dma_start3A_64] : memref<20000x128xf32, #tpu.memory_space<hbm>> -> memref<16x128xf32, #tpu.memory_space<hbm>>
        tpu.enqueue_dma source(%dma_start3A_65 : memref<16x128xf32, #tpu.memory_space<hbm>>) target(%dma_start3A_63 : memref<16x128xf32, #tpu.memory_space<vmem_shared>>) target_semaphore(%run_scoped3A : memref<!tpu.dma_semaphore, #tpu.memory_space<semaphore_mem>>)
        %dma_wait3A_66 = arith.constant 9984 : i32
        %dma_wait3A_67 = arith.constant 0 : i32
        %dma_wait3A_68 = tpu.memref_slice %arg10[%dma_wait3A_66, %dma_wait3A_67] : memref<10000x128xf32, #tpu.memory_space<vmem_shared>> -> memref<16x128xf32, #tpu.memory_space<vmem_shared>>
        %dma_wait3A_69 = arith.constant 0 : i32
        %dma_wait3A_70 = tpu.memref_slice %arg2[%add3A_60, %dma_wait3A_69] : memref<20000x128xf32, #tpu.memory_space<hbm>> -> memref<16x128xf32, #tpu.memory_space<hbm>>
        tpu.wait_dma2 semaphore(%run_scoped3A : memref<!tpu.dma_semaphore, #tpu.memory_space<semaphore_mem>>) src(%dma_wait3A_70 : memref<16x128xf32, #tpu.memory_space<hbm>>) dst(%dma_wait3A_68 : memref<16x128xf32, #tpu.memory_space<vmem_shared>>)
        tpu.yield
      }) : () -> ()
    } else {
    }
    %mul3A_15 = arith.constant 160000 : i32
    %mul3A_16 = arith.muli %arg0, %mul3A_15 : i32
    %add3A_17 = arith.addi %mul3A_16, %mul3A_0 : i32
    %dma_wait3A = tpu.memref_slice %arg3[%add3A_17] : memref<320000xi32, #tpu.memory_space<hbm>> -> memref<10000xi32, #tpu.memory_space<hbm>>
    %dma_wait3A_18 = tpu.memref_slice %arg3[%add3A_17] : memref<320000xi32, #tpu.memory_space<hbm>> -> memref<10000xi32, #tpu.memory_space<hbm>>
    tpu.wait_dma2 semaphore(%arg11 : memref<!tpu.dma_semaphore, #tpu.memory_space<semaphore_mem>>) src(%dma_wait3A_18 : memref<10000xi32, #tpu.memory_space<hbm>>) dst(%arg6 : memref<10000xi32, #tpu.memory_space<vmem>>)
    %dma_wait3A_19 = tpu.memref_slice %arg4[%mul3A_0] : memref<160000xi32, #tpu.memory_space<hbm>> -> memref<10000xi32, #tpu.memory_space<hbm>>
    %dma_wait3A_20 = tpu.memref_slice %arg4[%mul3A_0] : memref<160000xi32, #tpu.memory_space<hbm>> -> memref<10000xi32, #tpu.memory_space<hbm>>
    tpu.wait_dma2 semaphore(%arg12 : memref<!tpu.dma_semaphore, #tpu.memory_space<semaphore_mem>>) src(%dma_wait3A_20 : memref<10000xi32, #tpu.memory_space<hbm>>) dst(%arg7 : memref<10000xi32, #tpu.memory_space<vmem>>)
    %barrier3A = arith.constant 0 : index
    tpu.barrier barrier_id(%barrier3A)
    %dma_start3A_21 = arith.constant 0 : i32
    %dma_start3A_22 = tpu.memref_slice %arg6[%dma_start3A_21] : memref<10000xi32, #tpu.memory_space<vmem>> -> memref<80xi32, #tpu.memory_space<vmem>>
    %dma_start3A_23 = arith.constant 0 : i32
    %dma_start3A_24 = arith.constant 0 : i32
    %dma_start3A_25 = tpu.memref_slice %arg2[%dma_start3A_23, %dma_start3A_24] : memref<20000x128xf32, #tpu.memory_space<hbm>> -> memref<20000x128xf32, #tpu.memory_space<hbm>>
    tpu.enqueue_indirect_dma source(%dma_start3A_25 : memref<20000x128xf32, #tpu.memory_space<hbm>>) target(%arg8 : memref<80x128xf32, #tpu.memory_space<vmem>>) offsets(%dma_start3A_22 : memref<80xi32, #tpu.memory_space<vmem>>) semaphore(%arg11 : memref<!tpu.dma_semaphore, #tpu.memory_space<semaphore_mem>>)
    %scan3A = arith.constant 0 : i32
    %scan3A_26 = arith.constant 0 : i32
    %scan3A_27 = arith.constant 62 : i32
    %scan3A_28 = arith.addi %scan3A_26, %scan3A_27 : i32
    %scan3A_29 = arith.constant 1 : i32
    %scan3A_30 = scf.for %scan3A_57 = %scan3A_26 to %scan3A_28 step %scan3A_29 iter_args(%scan3A_58 = %scan3A) -> (i32)  : i32 {
      %mul3A_59 = arith.constant 2 : i32
      %mul3A_60 = arith.muli %mul3A_59, %scan3A_57 : i32
      %add3A_61 = arith.constant 1 : i32
      %add3A_62 = arith.addi %mul3A_60, %add3A_61 : i32
      %mul3A_63 = arith.constant 80 : i32
      %mul3A_64 = arith.muli %add3A_62, %mul3A_63 : i32
      %dma_start3A_65 = tpu.memref_slice %arg6[%mul3A_64] : memref<10000xi32, #tpu.memory_space<vmem>> -> memref<80xi32, #tpu.memory_space<vmem>>
      %dma_start3A_66 = arith.constant 0 : i32
      %dma_start3A_67 = arith.constant 0 : i32
      %dma_start3A_68 = tpu.memref_slice %arg2[%dma_start3A_66, %dma_start3A_67] : memref<20000x128xf32, #tpu.memory_space<hbm>> -> memref<20000x128xf32, #tpu.memory_space<hbm>>
      tpu.enqueue_indirect_dma source(%dma_start3A_68 : memref<20000x128xf32, #tpu.memory_space<hbm>>) target(%arg9 : memref<80x128xf32, #tpu.memory_space<vmem>>) offsets(%dma_start3A_65 : memref<80xi32, #tpu.memory_space<vmem>>) semaphore(%arg12 : memref<!tpu.dma_semaphore, #tpu.memory_space<semaphore_mem>>)
      %mul3A_69 = arith.constant 80 : i32
      %mul3A_70 = arith.muli %mul3A_60, %mul3A_69 : i32
      %dma_wait3A_71 = tpu.memref_slice %arg6[%mul3A_70] : memref<10000xi32, #tpu.memory_space<vmem>> -> memref<80xi32, #tpu.memory_space<vmem>>
      %dma_wait3A_72 = arith.constant 0 : i32
      %dma_wait3A_73 = arith.constant 0 : i32
      %dma_wait3A_74 = tpu.memref_slice %arg2[%dma_wait3A_72, %dma_wait3A_73] : memref<20000x128xf32, #tpu.memory_space<hbm>> -> memref<20000x128xf32, #tpu.memory_space<hbm>>
      tpu.wait_indirect_dma semaphore(%arg11 : memref<!tpu.dma_semaphore, #tpu.memory_space<semaphore_mem>>) src(%dma_wait3A_74 : memref<20000x128xf32, #tpu.memory_space<hbm>>) dst(%arg8 : memref<80x128xf32, #tpu.memory_space<vmem>>)
      %mul3A_75 = arith.constant 80 : i32
      %mul3A_76 = arith.muli %mul3A_60, %mul3A_75 : i32
      %dma_start3A_77 = tpu.memref_slice %arg7[%mul3A_76] : memref<10000xi32, #tpu.memory_space<vmem>> -> memref<80xi32, #tpu.memory_space<vmem>>
      %dma_start3A_78 = arith.constant 0 : i32
      %dma_start3A_79 = arith.constant 0 : i32
      %dma_start3A_80 = tpu.memref_slice %arg10[%dma_start3A_78, %dma_start3A_79] : memref<10000x128xf32, #tpu.memory_space<vmem_shared>> -> memref<10000x128xf32, #tpu.memory_space<vmem_shared>>
      tpu.enqueue_indirect_dma source(%arg8 : memref<80x128xf32, #tpu.memory_space<vmem>>) target(%dma_start3A_80 : memref<10000x128xf32, #tpu.memory_space<vmem_shared>>) offsets(%dma_start3A_77 : memref<80xi32, #tpu.memory_space<vmem>>) semaphore(%arg13 : memref<!tpu.dma_semaphore, #tpu.memory_space<semaphore_mem>>) {add = true}
      %mul3A_81 = arith.constant 80 : i32
      %mul3A_82 = arith.muli %mul3A_60, %mul3A_81 : i32
      %dma_wait3A_83 = tpu.memref_slice %arg7[%mul3A_82] : memref<10000xi32, #tpu.memory_space<vmem>> -> memref<80xi32, #tpu.memory_space<vmem>>
      %dma_wait3A_84 = arith.constant 0 : i32
      %dma_wait3A_85 = arith.constant 0 : i32
      %dma_wait3A_86 = tpu.memref_slice %arg10[%dma_wait3A_84, %dma_wait3A_85] : memref<10000x128xf32, #tpu.memory_space<vmem_shared>> -> memref<10000x128xf32, #tpu.memory_space<vmem_shared>>
      tpu.wait_indirect_dma semaphore(%arg13 : memref<!tpu.dma_semaphore, #tpu.memory_space<semaphore_mem>>) src(%arg8 : memref<80x128xf32, #tpu.memory_space<vmem>>) dst(%dma_wait3A_86 : memref<10000x128xf32, #tpu.memory_space<vmem_shared>>)
      %add3A_87 = arith.constant 2 : i32
      %add3A_88 = arith.addi %mul3A_60, %add3A_87 : i32
      %mul3A_89 = arith.constant 80 : i32
      %mul3A_90 = arith.muli %add3A_88, %mul3A_89 : i32
      %dma_start3A_91 = tpu.memref_slice %arg6[%mul3A_90] : memref<10000xi32, #tpu.memory_space<vmem>> -> memref<80xi32, #tpu.memory_space<vmem>>
      %dma_start3A_92 = arith.constant 0 : i32
      %dma_start3A_93 = arith.constant 0 : i32
      %dma_start3A_94 = tpu.memref_slice %arg2[%dma_start3A_92, %dma_start3A_93] : memref<20000x128xf32, #tpu.memory_space<hbm>> -> memref<20000x128xf32, #tpu.memory_space<hbm>>
      tpu.enqueue_indirect_dma source(%dma_start3A_94 : memref<20000x128xf32, #tpu.memory_space<hbm>>) target(%arg8 : memref<80x128xf32, #tpu.memory_space<vmem>>) offsets(%dma_start3A_91 : memref<80xi32, #tpu.memory_space<vmem>>) semaphore(%arg11 : memref<!tpu.dma_semaphore, #tpu.memory_space<semaphore_mem>>)
      %add3A_95 = arith.constant 1 : i32
      %add3A_96 = arith.addi %mul3A_60, %add3A_95 : i32
      %mul3A_97 = arith.constant 80 : i32
      %mul3A_98 = arith.muli %add3A_96, %mul3A_97 : i32
      %dma_wait3A_99 = tpu.memref_slice %arg6[%mul3A_98] : memref<10000xi32, #tpu.memory_space<vmem>> -> memref<80xi32, #tpu.memory_space<vmem>>
      %dma_wait3A_100 = arith.constant 0 : i32
      %dma_wait3A_101 = arith.constant 0 : i32
      %dma_wait3A_102 = tpu.memref_slice %arg2[%dma_wait3A_100, %dma_wait3A_101] : memref<20000x128xf32, #tpu.memory_space<hbm>> -> memref<20000x128xf32, #tpu.memory_space<hbm>>
      tpu.wait_indirect_dma semaphore(%arg12 : memref<!tpu.dma_semaphore, #tpu.memory_space<semaphore_mem>>) src(%dma_wait3A_102 : memref<20000x128xf32, #tpu.memory_space<hbm>>) dst(%arg9 : memref<80x128xf32, #tpu.memory_space<vmem>>)
      %add3A_103 = arith.constant 1 : i32
      %add3A_104 = arith.addi %mul3A_60, %add3A_103 : i32
      %mul3A_105 = arith.constant 80 : i32
      %mul3A_106 = arith.muli %add3A_104, %mul3A_105 : i32
      %dma_start3A_107 = tpu.memref_slice %arg7[%mul3A_106] : memref<10000xi32, #tpu.memory_space<vmem>> -> memref<80xi32, #tpu.memory_space<vmem>>
      %dma_start3A_108 = arith.constant 0 : i32
      %dma_start3A_109 = arith.constant 0 : i32
      %dma_start3A_110 = tpu.memref_slice %arg10[%dma_start3A_108, %dma_start3A_109] : memref<10000x128xf32, #tpu.memory_space<vmem_shared>> -> memref<10000x128xf32, #tpu.memory_space<vmem_shared>>
      tpu.enqueue_indirect_dma source(%arg9 : memref<80x128xf32, #tpu.memory_space<vmem>>) target(%dma_start3A_110 : memref<10000x128xf32, #tpu.memory_space<vmem_shared>>) offsets(%dma_start3A_107 : memref<80xi32, #tpu.memory_space<vmem>>) semaphore(%arg14 : memref<!tpu.dma_semaphore, #tpu.memory_space<semaphore_mem>>) {add = true}
      %add3A_111 = arith.constant 1 : i32
      %add3A_112 = arith.addi %mul3A_60, %add3A_111 : i32
      %mul3A_113 = arith.constant 80 : i32
      %mul3A_114 = arith.muli %add3A_112, %mul3A_113 : i32
      %dma_wait3A_115 = tpu.memref_slice %arg7[%mul3A_114] : memref<10000xi32, #tpu.memory_space<vmem>> -> memref<80xi32, #tpu.memory_space<vmem>>
      %dma_wait3A_116 = arith.constant 0 : i32
      %dma_wait3A_117 = arith.constant 0 : i32
      %dma_wait3A_118 = tpu.memref_slice %arg10[%dma_wait3A_116, %dma_wait3A_117] : memref<10000x128xf32, #tpu.memory_space<vmem_shared>> -> memref<10000x128xf32, #tpu.memory_space<vmem_shared>>
      tpu.wait_indirect_dma semaphore(%arg14 : memref<!tpu.dma_semaphore, #tpu.memory_space<semaphore_mem>>) src(%arg9 : memref<80x128xf32, #tpu.memory_space<vmem>>) dst(%dma_wait3A_118 : memref<10000x128xf32, #tpu.memory_space<vmem_shared>>)
      %scan3A_119 = arith.constant 0 : i32
      scf.yield %scan3A_119 : i32
    }
    %scan3A_31 = arith.constant 62 : i32
    %dma_wait3A_32 = arith.constant 9920 : i32
    %dma_wait3A_33 = tpu.memref_slice %arg6[%dma_wait3A_32] : memref<10000xi32, #tpu.memory_space<vmem>> -> memref<80xi32, #tpu.memory_space<vmem>>
    %dma_wait3A_34 = arith.constant 0 : i32
    %dma_wait3A_35 = arith.constant 0 : i32
    %dma_wait3A_36 = tpu.memref_slice %arg2[%dma_wait3A_34, %dma_wait3A_35] : memref<20000x128xf32, #tpu.memory_space<hbm>> -> memref<20000x128xf32, #tpu.memory_space<hbm>>
    tpu.wait_indirect_dma semaphore(%arg11 : memref<!tpu.dma_semaphore, #tpu.memory_space<semaphore_mem>>) src(%dma_wait3A_36 : memref<20000x128xf32, #tpu.memory_space<hbm>>) dst(%arg8 : memref<80x128xf32, #tpu.memory_space<vmem>>)
    %dma_start3A_37 = arith.constant 9920 : i32
    %dma_start3A_38 = tpu.memref_slice %arg7[%dma_start3A_37] : memref<10000xi32, #tpu.memory_space<vmem>> -> memref<80xi32, #tpu.memory_space<vmem>>
    %dma_start3A_39 = arith.constant 0 : i32
    %dma_start3A_40 = arith.constant 0 : i32
    %dma_start3A_41 = tpu.memref_slice %arg10[%dma_start3A_39, %dma_start3A_40] : memref<10000x128xf32, #tpu.memory_space<vmem_shared>> -> memref<10000x128xf32, #tpu.memory_space<vmem_shared>>
    tpu.enqueue_indirect_dma source(%arg8 : memref<80x128xf32, #tpu.memory_space<vmem>>) target(%dma_start3A_41 : memref<10000x128xf32, #tpu.memory_space<vmem_shared>>) offsets(%dma_start3A_38 : memref<80xi32, #tpu.memory_space<vmem>>) semaphore(%arg13 : memref<!tpu.dma_semaphore, #tpu.memory_space<semaphore_mem>>) {add = true}
    %dma_wait3A_42 = arith.constant 9920 : i32
    %dma_wait3A_43 = tpu.memref_slice %arg7[%dma_wait3A_42] : memref<10000xi32, #tpu.memory_space<vmem>> -> memref<80xi32, #tpu.memory_space<vmem>>
    %dma_wait3A_44 = arith.constant 0 : i32
    %dma_wait3A_45 = arith.constant 0 : i32
    %dma_wait3A_46 = tpu.memref_slice %arg10[%dma_wait3A_44, %dma_wait3A_45] : memref<10000x128xf32, #tpu.memory_space<vmem_shared>> -> memref<10000x128xf32, #tpu.memory_space<vmem_shared>>
    tpu.wait_indirect_dma semaphore(%arg13 : memref<!tpu.dma_semaphore, #tpu.memory_space<semaphore_mem>>) src(%arg8 : memref<80x128xf32, #tpu.memory_space<vmem>>) dst(%dma_wait3A_46 : memref<10000x128xf32, #tpu.memory_space<vmem_shared>>)
    %barrier3A_47 = arith.constant 0 : index
    tpu.barrier barrier_id(%barrier3A_47)
    %mul3A_48 = arith.constant 624 : i32
    %mul3A_49 = arith.muli %arg1, %mul3A_48 : i32
    %mul3A_50 = arith.constant 624 : i32
    %mul3A_51 = arith.muli %arg1, %mul3A_50 : i32
    "tpu.region"() ({
      %run_scoped3A = tpu.sem_alloc : memref<!tpu.dma_semaphore, #tpu.memory_space<semaphore_mem>>
      %dma_start3A_57 = arith.constant 0 : i32
      %dma_start3A_58 = tpu.memref_slice %arg5[%arg0, %mul3A_51, %dma_start3A_57] : memref<2x10000x128xf32, #tpu.memory_space<hbm>> -> memref<1x624x128xf32, #tpu.memory_space<hbm>>
      %dma_start3A_59 = tpu.memref_squeeze %dma_start3A_58 : memref<1x624x128xf32, #tpu.memory_space<hbm>> -> memref<624x128xf32, #tpu.memory_space<hbm>>
      %dma_start3A_60 = arith.constant 0 : i32
      %dma_start3A_61 = tpu.memref_slice %arg10[%mul3A_49, %dma_start3A_60] : memref<10000x128xf32, #tpu.memory_space<vmem_shared>> -> memref<624x128xf32, #tpu.memory_space<vmem_shared>>
      tpu.enqueue_dma source(%dma_start3A_61 : memref<624x128xf32, #tpu.memory_space<vmem_shared>>) target(%dma_start3A_59 : memref<624x128xf32, #tpu.memory_space<hbm>>) target_semaphore(%run_scoped3A : memref<!tpu.dma_semaphore, #tpu.memory_space<semaphore_mem>>)
      %dma_wait3A_62 = arith.constant 0 : i32
      %dma_wait3A_63 = tpu.memref_slice %arg5[%arg0, %mul3A_51, %dma_wait3A_62] : memref<2x10000x128xf32, #tpu.memory_space<hbm>> -> memref<1x624x128xf32, #tpu.memory_space<hbm>>
      %dma_wait3A_64 = tpu.memref_squeeze %dma_wait3A_63 : memref<1x624x128xf32, #tpu.memory_space<hbm>> -> memref<624x128xf32, #tpu.memory_space<hbm>>
      %dma_wait3A_65 = arith.constant 0 : i32
      %dma_wait3A_66 = tpu.memref_slice %arg10[%mul3A_49, %dma_wait3A_65] : memref<10000x128xf32, #tpu.memory_space<vmem_shared>> -> memref<624x128xf32, #tpu.memory_space<vmem_shared>>
      tpu.wait_dma2 semaphore(%run_scoped3A : memref<!tpu.dma_semaphore, #tpu.memory_space<semaphore_mem>>) src(%dma_wait3A_66 : memref<624x128xf32, #tpu.memory_space<vmem_shared>>) dst(%dma_wait3A_64 : memref<624x128xf32, #tpu.memory_space<hbm>>)
      tpu.yield
    }) : () -> ()
    %eq3A_52 = arith.constant 0 : i32
    %eq3A_53 = arith.cmpi eq, %arg1, %eq3A_52 : i32
    %convert_element_type3A_54 = arith.extui %eq3A_53 : i1 to i32
    %cond3A_55 = arith.constant 0 : i32
    %cond3A_56 = arith.cmpi ne, %convert_element_type3A_54, %cond3A_55 : i32
    scf.if %cond3A_56 {
      "tpu.region"() ({
        %run_scoped3A = tpu.sem_alloc : memref<!tpu.dma_semaphore, #tpu.memory_space<semaphore_mem>>
        %dma_start3A_57 = arith.constant 9984 : i32
        %dma_start3A_58 = arith.constant 0 : i32
        %dma_start3A_59 = tpu.memref_slice %arg5[%arg0, %dma_start3A_57, %dma_start3A_58] : memref<2x10000x128xf32, #tpu.memory_space<hbm>> -> memref<1x16x128xf32, #tpu.memory_space<hbm>>
        %dma_start3A_60 = tpu.memref_squeeze %dma_start3A_59 : memref<1x16x128xf32, #tpu.memory_space<hbm>> -> memref<16x128xf32, #tpu.memory_space<hbm>>
        %dma_start3A_61 = arith.constant 9984 : i32
        %dma_start3A_62 = arith.constant 0 : i32
        %dma_start3A_63 = tpu.memref_slice %arg10[%dma_start3A_61, %dma_start3A_62] : memref<10000x128xf32, #tpu.memory_space<vmem_shared>> -> memref<16x128xf32, #tpu.memory_space<vmem_shared>>
        tpu.enqueue_dma source(%dma_start3A_63 : memref<16x128xf32, #tpu.memory_space<vmem_shared>>) target(%dma_start3A_60 : memref<16x128xf32, #tpu.memory_space<hbm>>) target_semaphore(%run_scoped3A : memref<!tpu.dma_semaphore, #tpu.memory_space<semaphore_mem>>)
        %dma_wait3A_64 = arith.constant 9984 : i32
        %dma_wait3A_65 = arith.constant 0 : i32
        %dma_wait3A_66 = tpu.memref_slice %arg5[%arg0, %dma_wait3A_64, %dma_wait3A_65] : memref<2x10000x128xf32, #tpu.memory_space<hbm>> -> memref<1x16x128xf32, #tpu.memory_space<hbm>>
        %dma_wait3A_67 = tpu.memref_squeeze %dma_wait3A_66 : memref<1x16x128xf32, #tpu.memory_space<hbm>> -> memref<16x128xf32, #tpu.memory_space<hbm>>
        %dma_wait3A_68 = arith.constant 9984 : i32
        %dma_wait3A_69 = arith.constant 0 : i32
        %dma_wait3A_70 = tpu.memref_slice %arg10[%dma_wait3A_68, %dma_wait3A_69] : memref<10000x128xf32, #tpu.memory_space<vmem_shared>> -> memref<16x128xf32, #tpu.memory_space<vmem_shared>>
        tpu.wait_dma2 semaphore(%run_scoped3A : memref<!tpu.dma_semaphore, #tpu.memory_space<semaphore_mem>>) src(%dma_wait3A_70 : memref<16x128xf32, #tpu.memory_space<vmem_shared>>) dst(%dma_wait3A_67 : memref<16x128xf32, #tpu.memory_space<hbm>>)
        tpu.yield
      }) : () -> ()
    } else {
    }
    return
  }
}

#map = affine_map<(d0, d1) -> (0, 0)>
#map1 = affine_map<(d0, d1) -> (0)>
#map2 = affine_map<(d0, d1) -> (0, 0, 0)>
module attributes {stable_mosaic.version = 14 : i64} {
  func.func @body(%arg0: i32, %arg1: i32, %arg2: memref<20000x128xf32, #tpu.memory_space<hbm>>, %arg3: memref<320000xi32, #tpu.memory_space<hbm>>, %arg4: memref<160000xi32, #tpu.memory_space<hbm>>, %arg5: memref<2x10000x128xf32, #tpu.memory_space<hbm>>, %arg6: memref<10000xi32, #tpu.memory_space<vmem>>, %arg7: memref<10000xi32, #tpu.memory_space<vmem>>, %arg8: memref<80x128xf32, #tpu.memory_space<vmem>>, %arg9: memref<80x128xf32, #tpu.memory_space<vmem>>, %arg10: memref<10000x128xf32, #tpu.memory_space<vmem_shared>>, %arg11: memref<!tpu.dma_semaphore, #tpu.memory_space<semaphore_mem>>, %arg12: memref<!tpu.dma_semaphore, #tpu.memory_space<semaphore_mem>>, %arg13: memref<!tpu.dma_semaphore, #tpu.memory_space<semaphore_mem>>, %arg14: memref<!tpu.dma_semaphore, #tpu.memory_space<semaphore_mem>>) attributes {dimension_semantics = [#tpu.dimension_semantics<core_parallel>, #tpu.dimension_semantics<subcore_parallel>], iteration_bounds = array<i64: 2, 16>, scalar_prefetch = 0 : i64, scratch_operands = 9 : i64, tpu.core_type = #tpu.core_type<sc_vector_subcore>, window_params = [{transform_indices = #map}, {transform_indices = #map1}, {transform_indices = #map1}, {transform_indices = #map2}]} {
    %mul3A = arith.constant 10000 : i32
    %mul3A_0 = arith.muli %arg1, %mul3A : i32
    %mul3A_1 = arith.constant 160000 : i32
    %mul3A_2 = arith.muli %arg0, %mul3A_1 : i32
    %add3A = arith.addi %mul3A_2, %mul3A_0 : i32
    %dma_start3A = tpu.memref_slice %arg3[%add3A] : memref<320000xi32, #tpu.memory_space<hbm>> -> memref<10000xi32, #tpu.memory_space<hbm>>
    %dma_start3A_3 = tpu.memref_slice %arg3[%add3A] : memref<320000xi32, #tpu.memory_space<hbm>> -> memref<10000xi32, #tpu.memory_space<hbm>>
    tpu.enqueue_dma source(%dma_start3A_3 : memref<10000xi32, #tpu.memory_space<hbm>>) target(%arg6 : memref<10000xi32, #tpu.memory_space<vmem>>) target_semaphore(%arg11 : memref<!tpu.dma_semaphore, #tpu.memory_space<semaphore_mem>>)
    %dma_start3A_4 = tpu.memref_slice %arg4[%mul3A_0] : memref<160000xi32, #tpu.memory_space<hbm>> -> memref<10000xi32, #tpu.memory_space<hbm>>
    %dma_start3A_5 = tpu.memref_slice %arg4[%mul3A_0] : memref<160000xi32, #tpu.memory_space<hbm>> -> memref<10000xi32, #tpu.memory_space<hbm>>
    tpu.enqueue_dma source(%dma_start3A_5 : memref<10000xi32, #tpu.memory_space<hbm>>) target(%arg7 : memref<10000xi32, #tpu.memory_space<vmem>>) target_semaphore(%arg12 : memref<!tpu.dma_semaphore, #tpu.memory_space<semaphore_mem>>)
    %mul3A_6 = arith.constant 10000 : i32
    %mul3A_7 = arith.muli %arg0, %mul3A_6 : i32
    %mul3A_8 = arith.constant 624 : i32
    %mul3A_9 = arith.muli %arg1, %mul3A_8 : i32
    %add3A_10 = arith.addi %mul3A_7, %mul3A_9 : i32
    %mul3A_11 = arith.constant 624 : i32
    %mul3A_12 = arith.muli %arg1, %mul3A_11 : i32
    "tpu.region"() ({
      %run_scoped3A = tpu.sem_alloc : memref<!tpu.dma_semaphore, #tpu.memory_space<semaphore_mem>>
      %dma_start3A_57 = arith.constant 0 : i32
      %dma_start3A_58 = tpu.memref_slice %arg10[%mul3A_12, %dma_start3A_57] : memref<10000x128xf32, #tpu.memory_space<vmem_shared>> -> memref<624x128xf32, #tpu.memory_space<vmem_shared>>
      %dma_start3A_59 = arith.constant 0 : i32
      %dma_start3A_60 = tpu.memref_slice %arg2[%add3A_10, %dma_start3A_59] : memref<20000x128xf32, #tpu.memory_space<hbm>> -> memref<624x128xf32, #tpu.memory_space<hbm>>
      tpu.enqueue_dma source(%dma_start3A_60 : memref<624x128xf32, #tpu.memory_space<hbm>>) target(%dma_start3A_58 : memref<624x128xf32, #tpu.memory_space<vmem_shared>>) target_semaphore(%run_scoped3A : memref<!tpu.dma_semaphore, #tpu.memory_space<semaphore_mem>>)
      %dma_wait3A_61 = arith.constant 0 : i32
      %dma_wait3A_62 = tpu.memref_slice %arg10[%mul3A_12, %dma_wait3A_61] : memref<10000x128xf32, #tpu.memory_space<vmem_shared>> -> memref<624x128xf32, #tpu.memory_space<vmem_shared>>
      %dma_wait3A_63 = arith.constant 0 : i32
      %dma_wait3A_64 = tpu.memref_slice %arg2[%add3A_10, %dma_wait3A_63] : memref<20000x128xf32, #tpu.memory_space<hbm>> -> memref<624x128xf32, #tpu.memory_space<hbm>>
      tpu.wait_dma2 semaphore(%run_scoped3A : memref<!tpu.dma_semaphore, #tpu.memory_space<semaphore_mem>>) src(%dma_wait3A_64 : memref<624x128xf32, #tpu.memory_space<hbm>>) dst(%dma_wait3A_62 : memref<624x128xf32, #tpu.memory_space<vmem_shared>>)
      tpu.yield
    }) : () -> ()
    %eq3A = arith.constant 0 : i32
    %eq3A_13 = arith.cmpi eq, %arg1, %eq3A : i32
    %convert_element_type3A = arith.extui %eq3A_13 : i1 to i32
    %cond3A = arith.constant 0 : i32
    %cond3A_14 = arith.cmpi ne, %convert_element_type3A, %cond3A : i32
    scf.if %cond3A_14 {
      %mul3A_57 = arith.constant 10000 : i32
      %mul3A_58 = arith.muli %arg0, %mul3A_57 : i32
      %add3A_59 = arith.constant 9984 : i32
      %add3A_60 = arith.addi %mul3A_58, %add3A_59 : i32
      "tpu.region"() ({
        %run_scoped3A = tpu.sem_alloc : memref<!tpu.dma_semaphore, #tpu.memory_space<semaphore_mem>>
        %dma_start3A_61 = arith.constant 9984 : i32
        %dma_start3A_62 = arith.constant 0 : i32
        %dma_start3A_63 = tpu.memref_slice %arg10[%dma_start3A_61, %dma_start3A_62] : memref<10000x128xf32, #tpu.memory_space<vmem_shared>> -> memref<16x128xf32, #tpu.memory_space<vmem_shared>>
        %dma_start3A_64 = arith.constant 0 : i32
        %dma_start3A_65 = tpu.memref_slice %arg2[%add3A_60, %dma_start3A_64] : memref<20000x128xf32, #tpu.memory_space<hbm>> -> memref<16x128xf32, #tpu.memory_space<hbm>>
        tpu.enqueue_dma source(%dma_start3A_65 : memref<16x128xf32, #tpu.memory_space<hbm>>) target(%dma_start3A_63 : memref<16x128xf32, #tpu.memory_space<vmem_shared>>) target_semaphore(%run_scoped3A : memref<!tpu.dma_semaphore, #tpu.memory_space<semaphore_mem>>)
        %dma_wait3A_66 = arith.constant 9984 : i32
        %dma_wait3A_67 = arith.constant 0 : i32
        %dma_wait3A_68 = tpu.memref_slice %arg10[%dma_wait3A_66, %dma_wait3A_67] : memref<10000x128xf32, #tpu.memory_space<vmem_shared>> -> memref<16x128xf32, #tpu.memory_space<vmem_shared>>
        %dma_wait3A_69 = arith.constant 0 : i32
        %dma_wait3A_70 = tpu.memref_slice %arg2[%add3A_60, %dma_wait3A_69] : memref<20000x128xf32, #tpu.memory_space<hbm>> -> memref<16x128xf32, #tpu.memory_space<hbm>>
        tpu.wait_dma2 semaphore(%run_scoped3A : memref<!tpu.dma_semaphore, #tpu.memory_space<semaphore_mem>>) src(%dma_wait3A_70 : memref<16x128xf32, #tpu.memory_space<hbm>>) dst(%dma_wait3A_68 : memref<16x128xf32, #tpu.memory_space<vmem_shared>>)
        tpu.yield
      }) : () -> ()
    } else {
    }
    %mul3A_15 = arith.constant 160000 : i32
    %mul3A_16 = arith.muli %arg0, %mul3A_15 : i32
    %add3A_17 = arith.addi %mul3A_16, %mul3A_0 : i32
    %dma_wait3A = tpu.memref_slice %arg3[%add3A_17] : memref<320000xi32, #tpu.memory_space<hbm>> -> memref<10000xi32, #tpu.memory_space<hbm>>
    %dma_wait3A_18 = tpu.memref_slice %arg3[%add3A_17] : memref<320000xi32, #tpu.memory_space<hbm>> -> memref<10000xi32, #tpu.memory_space<hbm>>
    tpu.wait_dma2 semaphore(%arg11 : memref<!tpu.dma_semaphore, #tpu.memory_space<semaphore_mem>>) src(%dma_wait3A_18 : memref<10000xi32, #tpu.memory_space<hbm>>) dst(%arg6 : memref<10000xi32, #tpu.memory_space<vmem>>)
    %dma_wait3A_19 = tpu.memref_slice %arg4[%mul3A_0] : memref<160000xi32, #tpu.memory_space<hbm>> -> memref<10000xi32, #tpu.memory_space<hbm>>
    %dma_wait3A_20 = tpu.memref_slice %arg4[%mul3A_0] : memref<160000xi32, #tpu.memory_space<hbm>> -> memref<10000xi32, #tpu.memory_space<hbm>>
    tpu.wait_dma2 semaphore(%arg12 : memref<!tpu.dma_semaphore, #tpu.memory_space<semaphore_mem>>) src(%dma_wait3A_20 : memref<10000xi32, #tpu.memory_space<hbm>>) dst(%arg7 : memref<10000xi32, #tpu.memory_space<vmem>>)
    %barrier3A = arith.constant 0 : index
    tpu.barrier barrier_id(%barrier3A)
    %dma_start3A_21 = arith.constant 0 : i32
    %dma_start3A_22 = tpu.memref_slice %arg6[%dma_start3A_21] : memref<10000xi32, #tpu.memory_space<vmem>> -> memref<80xi32, #tpu.memory_space<vmem>>
    %dma_start3A_23 = arith.constant 0 : i32
    %dma_start3A_24 = arith.constant 0 : i32
    %dma_start3A_25 = tpu.memref_slice %arg2[%dma_start3A_23, %dma_start3A_24] : memref<20000x128xf32, #tpu.memory_space<hbm>> -> memref<20000x128xf32, #tpu.memory_space<hbm>>
    tpu.enqueue_indirect_dma source(%dma_start3A_25 : memref<20000x128xf32, #tpu.memory_space<hbm>>) target(%arg8 : memref<80x128xf32, #tpu.memory_space<vmem>>) offsets(%dma_start3A_22 : memref<80xi32, #tpu.memory_space<vmem>>) semaphore(%arg11 : memref<!tpu.dma_semaphore, #tpu.memory_space<semaphore_mem>>)
    %scan3A = arith.constant 0 : i32
    %scan3A_26 = arith.constant 0 : i32
    %scan3A_27 = arith.constant 62 : i32
    %scan3A_28 = arith.addi %scan3A_26, %scan3A_27 : i32
    %scan3A_29 = arith.constant 1 : i32
    %scan3A_30 = scf.for %scan3A_57 = %scan3A_26 to %scan3A_28 step %scan3A_29 iter_args(%scan3A_58 = %scan3A) -> (i32)  : i32 {
      %mul3A_59 = arith.constant 2 : i32
      %mul3A_60 = arith.muli %mul3A_59, %scan3A_57 : i32
      %add3A_61 = arith.constant 1 : i32
      %add3A_62 = arith.addi %mul3A_60, %add3A_61 : i32
      %mul3A_63 = arith.constant 80 : i32
      %mul3A_64 = arith.muli %add3A_62, %mul3A_63 : i32
      %dma_start3A_65 = tpu.memref_slice %arg6[%mul3A_64] : memref<10000xi32, #tpu.memory_space<vmem>> -> memref<80xi32, #tpu.memory_space<vmem>>
      %dma_start3A_66 = arith.constant 0 : i32
      %dma_start3A_67 = arith.constant 0 : i32
      %dma_start3A_68 = tpu.memref_slice %arg2[%dma_start3A_66, %dma_start3A_67] : memref<20000x128xf32, #tpu.memory_space<hbm>> -> memref<20000x128xf32, #tpu.memory_space<hbm>>
      tpu.enqueue_indirect_dma source(%dma_start3A_68 : memref<20000x128xf32, #tpu.memory_space<hbm>>) target(%arg9 : memref<80x128xf32, #tpu.memory_space<vmem>>) offsets(%dma_start3A_65 : memref<80xi32, #tpu.memory_space<vmem>>) semaphore(%arg12 : memref<!tpu.dma_semaphore, #tpu.memory_space<semaphore_mem>>)
      %mul3A_69 = arith.constant 80 : i32
      %mul3A_70 = arith.muli %mul3A_60, %mul3A_69 : i32
      %dma_wait3A_71 = tpu.memref_slice %arg6[%mul3A_70] : memref<10000xi32, #tpu.memory_space<vmem>> -> memref<80xi32, #tpu.memory_space<vmem>>
      %dma_wait3A_72 = arith.constant 0 : i32
      %dma_wait3A_73 = arith.constant 0 : i32
      %dma_wait3A_74 = tpu.memref_slice %arg2[%dma_wait3A_72, %dma_wait3A_73] : memref<20000x128xf32, #tpu.memory_space<hbm>> -> memref<20000x128xf32, #tpu.memory_space<hbm>>
      tpu.wait_indirect_dma semaphore(%arg11 : memref<!tpu.dma_semaphore, #tpu.memory_space<semaphore_mem>>) src(%dma_wait3A_74 : memref<20000x128xf32, #tpu.memory_space<hbm>>) dst(%arg8 : memref<80x128xf32, #tpu.memory_space<vmem>>)
      %mul3A_75 = arith.constant 80 : i32
      %mul3A_76 = arith.muli %mul3A_60, %mul3A_75 : i32
      %dma_start3A_77 = tpu.memref_slice %arg7[%mul3A_76] : memref<10000xi32, #tpu.memory_space<vmem>> -> memref<80xi32, #tpu.memory_space<vmem>>
      %dma_start3A_78 = arith.constant 0 : i32
      %dma_start3A_79 = arith.constant 0 : i32
      %dma_start3A_80 = tpu.memref_slice %arg10[%dma_start3A_78, %dma_start3A_79] : memref<10000x128xf32, #tpu.memory_space<vmem_shared>> -> memref<10000x128xf32, #tpu.memory_space<vmem_shared>>
      tpu.enqueue_indirect_dma source(%arg8 : memref<80x128xf32, #tpu.memory_space<vmem>>) target(%dma_start3A_80 : memref<10000x128xf32, #tpu.memory_space<vmem_shared>>) offsets(%dma_start3A_77 : memref<80xi32, #tpu.memory_space<vmem>>) semaphore(%arg13 : memref<!tpu.dma_semaphore, #tpu.memory_space<semaphore_mem>>) {add = true}
      %mul3A_81 = arith.constant 80 : i32
      %mul3A_82 = arith.muli %mul3A_60, %mul3A_81 : i32
      %dma_wait3A_83 = tpu.memref_slice %arg7[%mul3A_82] : memref<10000xi32, #tpu.memory_space<vmem>> -> memref<80xi32, #tpu.memory_space<vmem>>
      %dma_wait3A_84 = arith.constant 0 : i32
      %dma_wait3A_85 = arith.constant 0 : i32
      %dma_wait3A_86 = tpu.memref_slice %arg10[%dma_wait3A_84, %dma_wait3A_85] : memref<10000x128xf32, #tpu.memory_space<vmem_shared>> -> memref<10000x128xf32, #tpu.memory_space<vmem_shared>>
      tpu.wait_indirect_dma semaphore(%arg13 : memref<!tpu.dma_semaphore, #tpu.memory_space<semaphore_mem>>) src(%arg8 : memref<80x128xf32, #tpu.memory_space<vmem>>) dst(%dma_wait3A_86 : memref<10000x128xf32, #tpu.memory_space<vmem_shared>>)
      %add3A_87 = arith.constant 2 : i32
      %add3A_88 = arith.addi %mul3A_60, %add3A_87 : i32
      %mul3A_89 = arith.constant 80 : i32
      %mul3A_90 = arith.muli %add3A_88, %mul3A_89 : i32
      %dma_start3A_91 = tpu.memref_slice %arg6[%mul3A_90] : memref<10000xi32, #tpu.memory_space<vmem>> -> memref<80xi32, #tpu.memory_space<vmem>>
      %dma_start3A_92 = arith.constant 0 : i32
      %dma_start3A_93 = arith.constant 0 : i32
      %dma_start3A_94 = tpu.memref_slice %arg2[%dma_start3A_92, %dma_start3A_93] : memref<20000x128xf32, #tpu.memory_space<hbm>> -> memref<20000x128xf32, #tpu.memory_space<hbm>>
      tpu.enqueue_indirect_dma source(%dma_start3A_94 : memref<20000x128xf32, #tpu.memory_space<hbm>>) target(%arg8 : memref<80x128xf32, #tpu.memory_space<vmem>>) offsets(%dma_start3A_91 : memref<80xi32, #tpu.memory_space<vmem>>) semaphore(%arg11 : memref<!tpu.dma_semaphore, #tpu.memory_space<semaphore_mem>>)
      %add3A_95 = arith.constant 1 : i32
      %add3A_96 = arith.addi %mul3A_60, %add3A_95 : i32
      %mul3A_97 = arith.constant 80 : i32
      %mul3A_98 = arith.muli %add3A_96, %mul3A_97 : i32
      %dma_wait3A_99 = tpu.memref_slice %arg6[%mul3A_98] : memref<10000xi32, #tpu.memory_space<vmem>> -> memref<80xi32, #tpu.memory_space<vmem>>
      %dma_wait3A_100 = arith.constant 0 : i32
      %dma_wait3A_101 = arith.constant 0 : i32
      %dma_wait3A_102 = tpu.memref_slice %arg2[%dma_wait3A_100, %dma_wait3A_101] : memref<20000x128xf32, #tpu.memory_space<hbm>> -> memref<20000x128xf32, #tpu.memory_space<hbm>>
      tpu.wait_indirect_dma semaphore(%arg12 : memref<!tpu.dma_semaphore, #tpu.memory_space<semaphore_mem>>) src(%dma_wait3A_102 : memref<20000x128xf32, #tpu.memory_space<hbm>>) dst(%arg9 : memref<80x128xf32, #tpu.memory_space<vmem>>)
      %add3A_103 = arith.constant 1 : i32
      %add3A_104 = arith.addi %mul3A_60, %add3A_103 : i32
      %mul3A_105 = arith.constant 80 : i32
      %mul3A_106 = arith.muli %add3A_104, %mul3A_105 : i32
      %dma_start3A_107 = tpu.memref_slice %arg7[%mul3A_106] : memref<10000xi32, #tpu.memory_space<vmem>> -> memref<80xi32, #tpu.memory_space<vmem>>
      %dma_start3A_108 = arith.constant 0 : i32
      %dma_start3A_109 = arith.constant 0 : i32
      %dma_start3A_110 = tpu.memref_slice %arg10[%dma_start3A_108, %dma_start3A_109] : memref<10000x128xf32, #tpu.memory_space<vmem_shared>> -> memref<10000x128xf32, #tpu.memory_space<vmem_shared>>
      tpu.enqueue_indirect_dma source(%arg9 : memref<80x128xf32, #tpu.memory_space<vmem>>) target(%dma_start3A_110 : memref<10000x128xf32, #tpu.memory_space<vmem_shared>>) offsets(%dma_start3A_107 : memref<80xi32, #tpu.memory_space<vmem>>) semaphore(%arg14 : memref<!tpu.dma_semaphore, #tpu.memory_space<semaphore_mem>>) {add = true}
      %add3A_111 = arith.constant 1 : i32
      %add3A_112 = arith.addi %mul3A_60, %add3A_111 : i32
      %mul3A_113 = arith.constant 80 : i32
      %mul3A_114 = arith.muli %add3A_112, %mul3A_113 : i32
      %dma_wait3A_115 = tpu.memref_slice %arg7[%mul3A_114] : memref<10000xi32, #tpu.memory_space<vmem>> -> memref<80xi32, #tpu.memory_space<vmem>>
      %dma_wait3A_116 = arith.constant 0 : i32
      %dma_wait3A_117 = arith.constant 0 : i32
      %dma_wait3A_118 = tpu.memref_slice %arg10[%dma_wait3A_116, %dma_wait3A_117] : memref<10000x128xf32, #tpu.memory_space<vmem_shared>> -> memref<10000x128xf32, #tpu.memory_space<vmem_shared>>
      tpu.wait_indirect_dma semaphore(%arg14 : memref<!tpu.dma_semaphore, #tpu.memory_space<semaphore_mem>>) src(%arg9 : memref<80x128xf32, #tpu.memory_space<vmem>>) dst(%dma_wait3A_118 : memref<10000x128xf32, #tpu.memory_space<vmem_shared>>)
      %scan3A_119 = arith.constant 0 : i32
      scf.yield %scan3A_119 : i32
    }
    %scan3A_31 = arith.constant 62 : i32
    %dma_wait3A_32 = arith.constant 9920 : i32
    %dma_wait3A_33 = tpu.memref_slice %arg6[%dma_wait3A_32] : memref<10000xi32, #tpu.memory_space<vmem>> -> memref<80xi32, #tpu.memory_space<vmem>>
    %dma_wait3A_34 = arith.constant 0 : i32
    %dma_wait3A_35 = arith.constant 0 : i32
    %dma_wait3A_36 = tpu.memref_slice %arg2[%dma_wait3A_34, %dma_wait3A_35] : memref<20000x128xf32, #tpu.memory_space<hbm>> -> memref<20000x128xf32, #tpu.memory_space<hbm>>
    tpu.wait_indirect_dma semaphore(%arg11 : memref<!tpu.dma_semaphore, #tpu.memory_space<semaphore_mem>>) src(%dma_wait3A_36 : memref<20000x128xf32, #tpu.memory_space<hbm>>) dst(%arg8 : memref<80x128xf32, #tpu.memory_space<vmem>>)
    %dma_start3A_37 = arith.constant 9920 : i32
    %dma_start3A_38 = tpu.memref_slice %arg7[%dma_start3A_37] : memref<10000xi32, #tpu.memory_space<vmem>> -> memref<80xi32, #tpu.memory_space<vmem>>
    %dma_start3A_39 = arith.constant 0 : i32
    %dma_start3A_40 = arith.constant 0 : i32
    %dma_start3A_41 = tpu.memref_slice %arg10[%dma_start3A_39, %dma_start3A_40] : memref<10000x128xf32, #tpu.memory_space<vmem_shared>> -> memref<10000x128xf32, #tpu.memory_space<vmem_shared>>
    tpu.enqueue_indirect_dma source(%arg8 : memref<80x128xf32, #tpu.memory_space<vmem>>) target(%dma_start3A_41 : memref<10000x128xf32, #tpu.memory_space<vmem_shared>>) offsets(%dma_start3A_38 : memref<80xi32, #tpu.memory_space<vmem>>) semaphore(%arg13 : memref<!tpu.dma_semaphore, #tpu.memory_space<semaphore_mem>>) {add = true}
    %dma_wait3A_42 = arith.constant 9920 : i32
    %dma_wait3A_43 = tpu.memref_slice %arg7[%dma_wait3A_42] : memref<10000xi32, #tpu.memory_space<vmem>> -> memref<80xi32, #tpu.memory_space<vmem>>
    %dma_wait3A_44 = arith.constant 0 : i32
    %dma_wait3A_45 = arith.constant 0 : i32
    %dma_wait3A_46 = tpu.memref_slice %arg10[%dma_wait3A_44, %dma_wait3A_45] : memref<10000x128xf32, #tpu.memory_space<vmem_shared>> -> memref<10000x128xf32, #tpu.memory_space<vmem_shared>>
    tpu.wait_indirect_dma semaphore(%arg13 : memref<!tpu.dma_semaphore, #tpu.memory_space<semaphore_mem>>) src(%arg8 : memref<80x128xf32, #tpu.memory_space<vmem>>) dst(%dma_wait3A_46 : memref<10000x128xf32, #tpu.memory_space<vmem_shared>>)
    %barrier3A_47 = arith.constant 0 : index
    tpu.barrier barrier_id(%barrier3A_47)
    %mul3A_48 = arith.constant 624 : i32
    %mul3A_49 = arith.muli %arg1, %mul3A_48 : i32
    %mul3A_50 = arith.constant 624 : i32
    %mul3A_51 = arith.muli %arg1, %mul3A_50 : i32
    "tpu.region"() ({
      %run_scoped3A = tpu.sem_alloc : memref<!tpu.dma_semaphore, #tpu.memory_space<semaphore_mem>>
      %dma_start3A_57 = arith.constant 0 : i32
      %dma_start3A_58 = tpu.memref_slice %arg5[%arg0, %mul3A_51, %dma_start3A_57] : memref<2x10000x128xf32, #tpu.memory_space<hbm>> -> memref<1x624x128xf32, #tpu.memory_space<hbm>>
      %dma_start3A_59 = tpu.memref_squeeze %dma_start3A_58 : memref<1x624x128xf32, #tpu.memory_space<hbm>> -> memref<624x128xf32, #tpu.memory_space<hbm>>
      %dma_start3A_60 = arith.constant 0 : i32
      %dma_start3A_61 = tpu.memref_slice %arg10[%mul3A_49, %dma_start3A_60] : memref<10000x128xf32, #tpu.memory_space<vmem_shared>> -> memref<624x128xf32, #tpu.memory_space<vmem_shared>>
      tpu.enqueue_dma source(%dma_start3A_61 : memref<624x128xf32, #tpu.memory_space<vmem_shared>>) target(%dma_start3A_59 : memref<624x128xf32, #tpu.memory_space<hbm>>) target_semaphore(%run_scoped3A : memref<!tpu.dma_semaphore, #tpu.memory_space<semaphore_mem>>)
      %dma_wait3A_62 = arith.constant 0 : i32
      %dma_wait3A_63 = tpu.memref_slice %arg5[%arg0, %mul3A_51, %dma_wait3A_62] : memref<2x10000x128xf32, #tpu.memory_space<hbm>> -> memref<1x624x128xf32, #tpu.memory_space<hbm>>
      %dma_wait3A_64 = tpu.memref_squeeze %dma_wait3A_63 : memref<1x624x128xf32, #tpu.memory_space<hbm>> -> memref<624x128xf32, #tpu.memory_space<hbm>>
      %dma_wait3A_65 = arith.constant 0 : i32
      %dma_wait3A_66 = tpu.memref_slice %arg10[%mul3A_49, %dma_wait3A_65] : memref<10000x128xf32, #tpu.memory_space<vmem_shared>> -> memref<624x128xf32, #tpu.memory_space<vmem_shared>>
      tpu.wait_dma2 semaphore(%run_scoped3A : memref<!tpu.dma_semaphore, #tpu.memory_space<semaphore_mem>>) src(%dma_wait3A_66 : memref<624x128xf32, #tpu.memory_space<vmem_shared>>) dst(%dma_wait3A_64 : memref<624x128xf32, #tpu.memory_space<hbm>>)
      tpu.yield
    }) : () -> ()
    %eq3A_52 = arith.constant 0 : i32
    %eq3A_53 = arith.cmpi eq, %arg1, %eq3A_52 : i32
    %convert_element_type3A_54 = arith.extui %eq3A_53 : i1 to i32
    %cond3A_55 = arith.constant 0 : i32
    %cond3A_56 = arith.cmpi ne, %convert_element_type3A_54, %cond3A_55 : i32
    scf.if %cond3A_56 {
      "tpu.region"() ({
        %run_scoped3A = tpu.sem_alloc : memref<!tpu.dma_semaphore, #tpu.memory_space<semaphore_mem>>
        %dma_start3A_57 = arith.constant 9984 : i32
        %dma_start3A_58 = arith.constant 0 : i32
        %dma_start3A_59 = tpu.memref_slice %arg5[%arg0, %dma_start3A_57, %dma_start3A_58] : memref<2x10000x128xf32, #tpu.memory_space<hbm>> -> memref<1x16x128xf32, #tpu.memory_space<hbm>>
        %dma_start3A_60 = tpu.memref_squeeze %dma_start3A_59 : memref<1x16x128xf32, #tpu.memory_space<hbm>> -> memref<16x128xf32, #tpu.memory_space<hbm>>
        %dma_start3A_61 = arith.constant 9984 : i32
        %dma_start3A_62 = arith.constant 0 : i32
        %dma_start3A_63 = tpu.memref_slice %arg10[%dma_start3A_61, %dma_start3A_62] : memref<10000x128xf32, #tpu.memory_space<vmem_shared>> -> memref<16x128xf32, #tpu.memory_space<vmem_shared>>
        tpu.enqueue_dma source(%dma_start3A_63 : memref<16x128xf32, #tpu.memory_space<vmem_shared>>) target(%dma_start3A_60 : memref<16x128xf32, #tpu.memory_space<hbm>>) target_semaphore(%run_scoped3A : memref<!tpu.dma_semaphore, #tpu.memory_space<semaphore_mem>>)
        %dma_wait3A_64 = arith.constant 9984 : i32
        %dma_wait3A_65 = arith.constant 0 : i32
        %dma_wait3A_66 = tpu.memref_slice %arg5[%arg0, %dma_wait3A_64, %dma_wait3A_65] : memref<2x10000x128xf32, #tpu.memory_space<hbm>> -> memref<1x16x128xf32, #tpu.memory_space<hbm>>
        %dma_wait3A_67 = tpu.memref_squeeze %dma_wait3A_66 : memref<1x16x128xf32, #tpu.memory_space<hbm>> -> memref<16x128xf32, #tpu.memory_space<hbm>>
        %dma_wait3A_68 = arith.constant 9984 : i32
        %dma_wait3A_69 = arith.constant 0 : i32
        %dma_wait3A_70 = tpu.memref_slice %arg10[%dma_wait3A_68, %dma_wait3A_69] : memref<10000x128xf32, #tpu.memory_space<vmem_shared>> -> memref<16x128xf32, #tpu.memory_space<vmem_shared>>
        tpu.wait_dma2 semaphore(%run_scoped3A : memref<!tpu.dma_semaphore, #tpu.memory_space<semaphore_mem>>) src(%dma_wait3A_70 : memref<16x128xf32, #tpu.memory_space<vmem_shared>>) dst(%dma_wait3A_67 : memref<16x128xf32, #tpu.memory_space<hbm>>)
        tpu.yield
      }) : () -> ()
    } else {
    }
    return
  }
}

module attributes {stable_mosaic.version = 14 : i64} {
  func.func @_head_body(%arg0: i32, %arg1: memref<2x400x128xf32, #tpu.memory_space<vmem>>, %arg2: memref<400x16xf32, #tpu.memory_space<vmem>>, %arg3: memref<1x256xf32, #tpu.memory_space<vmem>>, %arg4: memref<256x256xf32, #tpu.memory_space<vmem>>, %arg5: memref<1x256xf32, #tpu.memory_space<vmem>>, %arg6: memref<256x64xf32, #tpu.memory_space<vmem>>, %arg7: memref<1x64xf32, #tpu.memory_space<vmem>>, %arg8: memref<400x64xf32, #tpu.memory_space<vmem>>) attributes {dimension_semantics = [#tpu.dimension_semantics<arbitrary>], iteration_bounds = array<i64: 25>, scalar_prefetch = 0 : i64, scratch_operands = 0 : i64, tpu.core_type = #tpu.core_type<tc>, window_params = [{transform_indices = @transform_0, window_bounds = array<i64: 2, 400, 128>}, {transform_indices = @transform_1, window_bounds = array<i64: 400, 16>}, {pipeline_mode = #tpu.pipeline_mode<synchronous>, transform_indices = @transform_2, window_bounds = array<i64: 1, 256>}, {pipeline_mode = #tpu.pipeline_mode<synchronous>, transform_indices = @transform_3, window_bounds = array<i64: 256, 256>}, {pipeline_mode = #tpu.pipeline_mode<synchronous>, transform_indices = @transform_4, window_bounds = array<i64: 1, 256>}, {pipeline_mode = #tpu.pipeline_mode<synchronous>, transform_indices = @transform_5, window_bounds = array<i64: 256, 64>}, {pipeline_mode = #tpu.pipeline_mode<synchronous>, transform_indices = @transform_6, window_bounds = array<i64: 1, 64>}, {transform_indices = @transform_7, window_bounds = array<i64: 400, 64>}]} {
    %get3A = arith.constant 0 : index
    %get3A_0 = arith.constant 0 : index
    %get3A_1 = vector.load %arg2[%get3A, %get3A_0] : memref<400x16xf32, #tpu.memory_space<vmem>>, vector<400x1xf32>
    %get3A_2 = arith.constant 0 : index
    %get3A_3 = arith.constant 0 : index
    %get3A_4 = arith.constant 0 : index
    %get3A_5 = vector.load %arg1[%get3A_2, %get3A_3, %get3A_4] : memref<2x400x128xf32, #tpu.memory_space<vmem>>, vector<1x400x128xf32>
    %get3A_6 = vector.shape_cast %get3A_5 : vector<1x400x128xf32> to vector<400x128xf32>
    %get3A_7 = arith.constant 1 : index
    %get3A_8 = arith.constant 0 : index
    %get3A_9 = arith.constant 0 : index
    %get3A_10 = vector.load %arg1[%get3A_7, %get3A_8, %get3A_9] : memref<2x400x128xf32, #tpu.memory_space<vmem>>, vector<1x400x128xf32>
    %get3A_11 = vector.shape_cast %get3A_10 : vector<1x400x128xf32> to vector<400x128xf32>
    %concatenate3A = tpu.concatenate %get3A_6, %get3A_11 in 1 : vector<400x128xf32>, vector<400x128xf32> -> vector<400x256xf32>
    %mul3A = vector.broadcast %get3A_1 : vector<400x1xf32> to vector<400x256xf32>
    %mul3A_12 = arith.mulf %concatenate3A, %mul3A : vector<400x256xf32>
    %get3A_13 = arith.constant 0 : index
    %get3A_14 = arith.constant 0 : index
    %get3A_15 = vector.load %arg3[%get3A_13, %get3A_14] : memref<1x256xf32, #tpu.memory_space<vmem>>, vector<1x256xf32>
    %add3A = vector.broadcast %get3A_15 : vector<1x256xf32> to vector<400x256xf32>
    %add3A_16 = arith.addf %mul3A_12, %add3A : vector<400x256xf32>
    %max3A = arith.constant 0.000000e+00 : f32
    %max3A_17 = vector.broadcast %max3A : f32 to vector<400x256xf32>
    %max3A_18 = arith.maximumf %add3A_16, %max3A_17 : vector<400x256xf32>
    %get3A_19 = arith.constant 0 : index
    %get3A_20 = arith.constant 0 : index
    %get3A_21 = vector.load %arg4[%get3A_19, %get3A_20] : memref<256x256xf32, #tpu.memory_space<vmem>>, vector<256x256xf32>
    %dot_general3A = arith.constant dense<0.000000e+00> : vector<400x256xf32>
    %dot_general3A_22 = tpu.matmul %max3A_18, %get3A_21, %dot_general3A {dimension_numbers = #tpu.dot_dimension_numbers<[1], [0], [0], [1], [0, 0, 1, 1], [], []>, transpose_lhs_hint = false} : vector<400x256xf32>, vector<256x256xf32>, vector<400x256xf32> -> vector<400x256xf32>
    %get3A_23 = arith.constant 0 : index
    %get3A_24 = arith.constant 0 : index
    %get3A_25 = vector.load %arg5[%get3A_23, %get3A_24] : memref<1x256xf32, #tpu.memory_space<vmem>>, vector<1x256xf32>
    %add3A_26 = vector.broadcast %get3A_25 : vector<1x256xf32> to vector<400x256xf32>
    %add3A_27 = arith.addf %dot_general3A_22, %add3A_26 : vector<400x256xf32>
    %max3A_28 = arith.constant 0.000000e+00 : f32
    %max3A_29 = vector.broadcast %max3A_28 : f32 to vector<400x256xf32>
    %max3A_30 = arith.maximumf %add3A_27, %max3A_29 : vector<400x256xf32>
    %get3A_31 = arith.constant 0 : index
    %get3A_32 = arith.constant 0 : index
    %get3A_33 = vector.load %arg6[%get3A_31, %get3A_32] : memref<256x64xf32, #tpu.memory_space<vmem>>, vector<256x64xf32>
    %dot_general3A_34 = arith.constant dense<0.000000e+00> : vector<400x64xf32>
    %dot_general3A_35 = tpu.matmul %max3A_30, %get3A_33, %dot_general3A_34 {dimension_numbers = #tpu.dot_dimension_numbers<[1], [0], [0], [1], [0, 0, 1, 1], [], []>, transpose_lhs_hint = false} : vector<400x256xf32>, vector<256x64xf32>, vector<400x64xf32> -> vector<400x64xf32>
    %get3A_36 = arith.constant 0 : index
    %get3A_37 = arith.constant 0 : index
    %get3A_38 = vector.load %arg7[%get3A_36, %get3A_37] : memref<1x64xf32, #tpu.memory_space<vmem>>, vector<1x64xf32>
    %add3A_39 = vector.broadcast %get3A_38 : vector<1x64xf32> to vector<400x64xf32>
    %add3A_40 = arith.addf %dot_general3A_35, %add3A_39 : vector<400x64xf32>
    %reduce_max3A = arith.constant dense<0xFF800000> : vector<400xf32>
    %reduce_max3A_41 = vector.multi_reduction <maximumf>, %add3A_40, %reduce_max3A [1] : vector<400x64xf32> to vector<400xf32>
    %broadcast_in_dim3A = vector.shape_cast %reduce_max3A_41 : vector<400xf32> to vector<400x1xf32>
    %sub3A = vector.broadcast %broadcast_in_dim3A : vector<400x1xf32> to vector<400x64xf32>
    %sub3A_42 = arith.subf %add3A_40, %sub3A : vector<400x64xf32>
    %exp3A = math.exp %sub3A_42 : vector<400x64xf32>
    %reduce_sum3A = arith.constant dense<0.000000e+00> : vector<400xf32>
    %reduce_sum3A_43 = vector.multi_reduction <add>, %exp3A, %reduce_sum3A [1] : vector<400x64xf32> to vector<400xf32>
    %broadcast_in_dim3A_44 = vector.shape_cast %reduce_sum3A_43 : vector<400xf32> to vector<400x1xf32>
    %log3A = math.log %broadcast_in_dim3A_44 : vector<400x1xf32>
    %sub3A_45 = vector.broadcast %log3A : vector<400x1xf32> to vector<400x64xf32>
    %sub3A_46 = arith.subf %sub3A_42, %sub3A_45 : vector<400x64xf32>
    %swap3A = arith.constant 0 : index
    %swap3A_47 = arith.constant 0 : index
    %swap3A_48 = vector.load %arg8[%swap3A, %swap3A_47] : memref<400x64xf32, #tpu.memory_space<vmem>>, vector<400x64xf32>
    tpu.vector_store %arg8[%swap3A, %swap3A_47], %sub3A_46 {strides = array<i32>} : memref<400x64xf32, #tpu.memory_space<vmem>>, vector<400x64xf32>,
    return
  }
  func.func @transform_0(%arg0: i32) -> (i32, i32, i32) {
    %c0_i32 = arith.constant 0 : i32
    %c0_i32_0 = arith.constant 0 : i32
    %c0_i32_1 = arith.constant 0 : i32
    return %c0_i32, %arg0, %c0_i32_0 : i32, i32, i32
  }
  func.func @transform_1(%arg0: i32) -> (i32, i32) {
    %c0_i32 = arith.constant 0 : i32
    %c0_i32_0 = arith.constant 0 : i32
    return %arg0, %c0_i32 : i32, i32
  }
  func.func @transform_2(%arg0: i32) -> (i32, i32) {
    %c0_i32 = arith.constant 0 : i32
    %c0_i32_0 = arith.constant 0 : i32
    %c0_i32_1 = arith.constant 0 : i32
    return %c0_i32, %c0_i32_0 : i32, i32
  }
  func.func @transform_3(%arg0: i32) -> (i32, i32) {
    %c0_i32 = arith.constant 0 : i32
    %c0_i32_0 = arith.constant 0 : i32
    %c0_i32_1 = arith.constant 0 : i32
    return %c0_i32, %c0_i32_0 : i32, i32
  }
  func.func @transform_4(%arg0: i32) -> (i32, i32) {
    %c0_i32 = arith.constant 0 : i32
    %c0_i32_0 = arith.constant 0 : i32
    %c0_i32_1 = arith.constant 0 : i32
    return %c0_i32, %c0_i32_0 : i32, i32
  }
  func.func @transform_5(%arg0: i32) -> (i32, i32) {
    %c0_i32 = arith.constant 0 : i32
    %c0_i32_0 = arith.constant 0 : i32
    %c0_i32_1 = arith.constant 0 : i32
    return %c0_i32, %c0_i32_0 : i32, i32
  }
  func.func @transform_6(%arg0: i32) -> (i32, i32) {
    %c0_i32 = arith.constant 0 : i32
    %c0_i32_0 = arith.constant 0 : i32
    %c0_i32_1 = arith.constant 0 : i32
    return %c0_i32, %c0_i32_0 : i32, i32
  }
  func.func @transform_7(%arg0: i32) -> (i32, i32) {
    %c0_i32 = arith.constant 0 : i32
    %c0_i32_0 = arith.constant 0 : i32
    return %arg0, %c0_i32 : i32, i32
  }
}

module attributes {stable_mosaic.version = 14 : i64} {
  func.func @_mm1_body(%arg0: i32, %arg1: memref<400x256xf32, #tpu.memory_space<vmem>>, %arg2: memref<256x256xf32, #tpu.memory_space<vmem>>, %arg3: memref<2x400x16xf32, #tpu.memory_space<vmem>>, %arg4: memref<2x400x128xf32, #tpu.memory_space<vmem>>, %arg5: memref<400x16xf32, #tpu.memory_space<vmem>>) attributes {dimension_semantics = [#tpu.dimension_semantics<arbitrary>], iteration_bounds = array<i64: 25>, scalar_prefetch = 0 : i64, scratch_operands = 0 : i64, tpu.core_type = #tpu.core_type<tc>, window_params = [{transform_indices = @transform_0, window_bounds = array<i64: 400, 256>}, {pipeline_mode = #tpu.pipeline_mode<synchronous>, transform_indices = @transform_1, window_bounds = array<i64: 256, 256>}, {transform_indices = @transform_2, window_bounds = array<i64: 2, 400, 16>}, {transform_indices = @transform_3, window_bounds = array<i64: 2, 400, 128>}, {transform_indices = @transform_4, window_bounds = array<i64: 400, 16>}]} {
    %get3A = arith.constant 0 : index
    %get3A_0 = arith.constant 0 : index
    %get3A_1 = arith.constant 0 : index
    %get3A_2 = vector.load %arg3[%get3A, %get3A_0, %get3A_1] : memref<2x400x16xf32, #tpu.memory_space<vmem>>, vector<1x400x16xf32>
    %get3A_3 = vector.shape_cast %get3A_2 : vector<1x400x16xf32> to vector<400x16xf32>
    %get3A_4 = arith.constant 1 : index
    %get3A_5 = arith.constant 0 : index
    %get3A_6 = arith.constant 0 : index
    %get3A_7 = vector.load %arg3[%get3A_4, %get3A_5, %get3A_6] : memref<2x400x16xf32, #tpu.memory_space<vmem>>, vector<1x400x16xf32>
    %get3A_8 = vector.shape_cast %get3A_7 : vector<1x400x16xf32> to vector<400x16xf32>
    %add3A = arith.addf %get3A_3, %get3A_8 : vector<400x16xf32>
    %add3A_9 = arith.constant 1.000000e+00 : f32
    %add3A_10 = vector.broadcast %add3A_9 : f32 to vector<400x16xf32>
    %add3A_11 = arith.addf %add3A, %add3A_10 : vector<400x16xf32>
    %rsqrt3A = math.rsqrt %add3A_11 : vector<400x16xf32>
    %get3A_12 = arith.constant 0 : index
    %get3A_13 = arith.constant 0 : index
    %get3A_14 = vector.load %arg1[%get3A_12, %get3A_13] : memref<400x256xf32, #tpu.memory_space<vmem>>, vector<400x256xf32>
    %get3A_15 = arith.constant 0 : index
    %get3A_16 = arith.constant 0 : index
    %get3A_17 = vector.load %arg2[%get3A_15, %get3A_16] : memref<256x256xf32, #tpu.memory_space<vmem>>, vector<256x256xf32>
    %dot_general3A = arith.constant dense<0.000000e+00> : vector<400x256xf32>
    %dot_general3A_18 = tpu.matmul %get3A_14, %get3A_17, %dot_general3A {dimension_numbers = #tpu.dot_dimension_numbers<[1], [0], [0], [1], [0, 0, 1, 1], [], []>, transpose_lhs_hint = false} : vector<400x256xf32>, vector<256x256xf32>, vector<400x256xf32> -> vector<400x256xf32>
    %slice3A = vector.extract_strided_slice %rsqrt3A {offsets = [0, 0], sizes = [400, 1], strides = [1, 1]} : vector<400x16xf32> to vector<400x1xf32>
    %mul3A = vector.broadcast %slice3A : vector<400x1xf32> to vector<400x256xf32>
    %mul3A_19 = arith.mulf %dot_general3A_18, %mul3A : vector<400x256xf32>
    %slice3A_20 = vector.extract_strided_slice %mul3A_19 {offsets = [0, 0], sizes = [400, 128], strides = [1, 1]} : vector<400x256xf32> to vector<400x128xf32>
    %swap3A = arith.constant 0 : index
    %swap3A_21 = arith.constant 0 : index
    %swap3A_22 = arith.constant 0 : index
    %swap3A_23 = vector.load %arg4[%swap3A, %swap3A_21, %swap3A_22] : memref<2x400x128xf32, #tpu.memory_space<vmem>>, vector<1x400x128xf32>
    %swap3A_24 = vector.shape_cast %swap3A_23 : vector<1x400x128xf32> to vector<400x128xf32>
    %swap3A_25 = vector.shape_cast %slice3A_20 : vector<400x128xf32> to vector<1x400x128xf32>
    tpu.vector_store %arg4[%swap3A, %swap3A_21, %swap3A_22], %swap3A_25 {strides = array<i32>} : memref<2x400x128xf32, #tpu.memory_space<vmem>>, vector<1x400x128xf32>,
    %slice3A_26 = vector.extract_strided_slice %mul3A_19 {offsets = [0, 128], sizes = [400, 128], strides = [1, 1]} : vector<400x256xf32> to vector<400x128xf32>
    %swap3A_27 = arith.constant 1 : index
    %swap3A_28 = arith.constant 0 : index
    %swap3A_29 = arith.constant 0 : index
    %swap3A_30 = vector.load %arg4[%swap3A_27, %swap3A_28, %swap3A_29] : memref<2x400x128xf32, #tpu.memory_space<vmem>>, vector<1x400x128xf32>
    %swap3A_31 = vector.shape_cast %swap3A_30 : vector<1x400x128xf32> to vector<400x128xf32>
    %swap3A_32 = vector.shape_cast %slice3A_26 : vector<400x128xf32> to vector<1x400x128xf32>
    tpu.vector_store %arg4[%swap3A_27, %swap3A_28, %swap3A_29], %swap3A_32 {strides = array<i32>} : memref<2x400x128xf32, #tpu.memory_space<vmem>>, vector<1x400x128xf32>,
    %swap3A_33 = arith.constant 0 : index
    %swap3A_34 = arith.constant 0 : index
    %swap3A_35 = vector.load %arg5[%swap3A_33, %swap3A_34] : memref<400x16xf32, #tpu.memory_space<vmem>>, vector<400x16xf32>
    tpu.vector_store %arg5[%swap3A_33, %swap3A_34], %rsqrt3A {strides = array<i32>} : memref<400x16xf32, #tpu.memory_space<vmem>>, vector<400x16xf32>,
    return
  }
  func.func @transform_0(%arg0: i32) -> (i32, i32) {
    %c0_i32 = arith.constant 0 : i32
    %c0_i32_0 = arith.constant 0 : i32
    return %arg0, %c0_i32 : i32, i32
  }
  func.func @transform_1(%arg0: i32) -> (i32, i32) {
    %c0_i32 = arith.constant 0 : i32
    %c0_i32_0 = arith.constant 0 : i32
    %c0_i32_1 = arith.constant 0 : i32
    return %c0_i32, %c0_i32_0 : i32, i32
  }
  func.func @transform_2(%arg0: i32) -> (i32, i32, i32) {
    %c0_i32 = arith.constant 0 : i32
    %c0_i32_0 = arith.constant 0 : i32
    %c0_i32_1 = arith.constant 0 : i32
    return %c0_i32, %arg0, %c0_i32_0 : i32, i32, i32
  }
  func.func @transform_3(%arg0: i32) -> (i32, i32, i32) {
    %c0_i32 = arith.constant 0 : i32
    %c0_i32_0 = arith.constant 0 : i32
    %c0_i32_1 = arith.constant 0 : i32
    return %c0_i32, %arg0, %c0_i32_0 : i32, i32, i32
  }
  func.func @transform_4(%arg0: i32) -> (i32, i32) {
    %c0_i32 = arith.constant 0 : i32
    %c0_i32_0 = arith.constant 0 : i32
    return %arg0, %c0_i32 : i32, i32
  }
}

module attributes {stable_mosaic.version = 14 : i64} {
  func.func @_mm2_body(%arg0: i32, %arg1: memref<2x400x128xf32, #tpu.memory_space<vmem>>, %arg2: memref<400x16xf32, #tpu.memory_space<vmem>>, %arg3: memref<1x256xf32, #tpu.memory_space<vmem>>, %arg4: memref<256x256xf32, #tpu.memory_space<vmem>>, %arg5: memref<2x400x128xf32, #tpu.memory_space<vmem>>) attributes {dimension_semantics = [#tpu.dimension_semantics<arbitrary>], iteration_bounds = array<i64: 25>, scalar_prefetch = 0 : i64, scratch_operands = 0 : i64, tpu.core_type = #tpu.core_type<tc>, window_params = [{transform_indices = @transform_0, window_bounds = array<i64: 2, 400, 128>}, {transform_indices = @transform_1, window_bounds = array<i64: 400, 16>}, {pipeline_mode = #tpu.pipeline_mode<synchronous>, transform_indices = @transform_2, window_bounds = array<i64: 1, 256>}, {pipeline_mode = #tpu.pipeline_mode<synchronous>, transform_indices = @transform_3, window_bounds = array<i64: 256, 256>}, {transform_indices = @transform_4, window_bounds = array<i64: 2, 400, 128>}]} {
    %get3A = arith.constant 0 : index
    %get3A_0 = arith.constant 0 : index
    %get3A_1 = vector.load %arg2[%get3A, %get3A_0] : memref<400x16xf32, #tpu.memory_space<vmem>>, vector<400x1xf32>
    %get3A_2 = arith.constant 0 : index
    %get3A_3 = arith.constant 0 : index
    %get3A_4 = arith.constant 0 : index
    %get3A_5 = vector.load %arg1[%get3A_2, %get3A_3, %get3A_4] : memref<2x400x128xf32, #tpu.memory_space<vmem>>, vector<1x400x128xf32>
    %get3A_6 = vector.shape_cast %get3A_5 : vector<1x400x128xf32> to vector<400x128xf32>
    %get3A_7 = arith.constant 1 : index
    %get3A_8 = arith.constant 0 : index
    %get3A_9 = arith.constant 0 : index
    %get3A_10 = vector.load %arg1[%get3A_7, %get3A_8, %get3A_9] : memref<2x400x128xf32, #tpu.memory_space<vmem>>, vector<1x400x128xf32>
    %get3A_11 = vector.shape_cast %get3A_10 : vector<1x400x128xf32> to vector<400x128xf32>
    %concatenate3A = tpu.concatenate %get3A_6, %get3A_11 in 1 : vector<400x128xf32>, vector<400x128xf32> -> vector<400x256xf32>
    %mul3A = vector.broadcast %get3A_1 : vector<400x1xf32> to vector<400x256xf32>
    %mul3A_12 = arith.mulf %concatenate3A, %mul3A : vector<400x256xf32>
    %get3A_13 = arith.constant 0 : index
    %get3A_14 = arith.constant 0 : index
    %get3A_15 = vector.load %arg3[%get3A_13, %get3A_14] : memref<1x256xf32, #tpu.memory_space<vmem>>, vector<1x256xf32>
    %add3A = vector.broadcast %get3A_15 : vector<1x256xf32> to vector<400x256xf32>
    %add3A_16 = arith.addf %mul3A_12, %add3A : vector<400x256xf32>
    %max3A = arith.constant 0.000000e+00 : f32
    %max3A_17 = vector.broadcast %max3A : f32 to vector<400x256xf32>
    %max3A_18 = arith.maximumf %add3A_16, %max3A_17 : vector<400x256xf32>
    %get3A_19 = arith.constant 0 : index
    %get3A_20 = arith.constant 0 : index
    %get3A_21 = vector.load %arg4[%get3A_19, %get3A_20] : memref<256x256xf32, #tpu.memory_space<vmem>>, vector<256x256xf32>
    %dot_general3A = arith.constant dense<0.000000e+00> : vector<400x256xf32>
    %dot_general3A_22 = tpu.matmul %max3A_18, %get3A_21, %dot_general3A {dimension_numbers = #tpu.dot_dimension_numbers<[1], [0], [0], [1], [0, 0, 1, 1], [], []>, transpose_lhs_hint = false} : vector<400x256xf32>, vector<256x256xf32>, vector<400x256xf32> -> vector<400x256xf32>
    %mul3A_23 = vector.broadcast %get3A_1 : vector<400x1xf32> to vector<400x256xf32>
    %mul3A_24 = arith.mulf %dot_general3A_22, %mul3A_23 : vector<400x256xf32>
    %slice3A = vector.extract_strided_slice %mul3A_24 {offsets = [0, 0], sizes = [400, 128], strides = [1, 1]} : vector<400x256xf32> to vector<400x128xf32>
    %swap3A = arith.constant 0 : index
    %swap3A_25 = arith.constant 0 : index
    %swap3A_26 = arith.constant 0 : index
    %swap3A_27 = vector.load %arg5[%swap3A, %swap3A_25, %swap3A_26] : memref<2x400x128xf32, #tpu.memory_space<vmem>>, vector<1x400x128xf32>
    %swap3A_28 = vector.shape_cast %swap3A_27 : vector<1x400x128xf32> to vector<400x128xf32>
    %swap3A_29 = vector.shape_cast %slice3A : vector<400x128xf32> to vector<1x400x128xf32>
    tpu.vector_store %arg5[%swap3A, %swap3A_25, %swap3A_26], %swap3A_29 {strides = array<i32>} : memref<2x400x128xf32, #tpu.memory_space<vmem>>, vector<1x400x128xf32>,
    %slice3A_30 = vector.extract_strided_slice %mul3A_24 {offsets = [0, 128], sizes = [400, 128], strides = [1, 1]} : vector<400x256xf32> to vector<400x128xf32>
    %swap3A_31 = arith.constant 1 : index
    %swap3A_32 = arith.constant 0 : index
    %swap3A_33 = arith.constant 0 : index
    %swap3A_34 = vector.load %arg5[%swap3A_31, %swap3A_32, %swap3A_33] : memref<2x400x128xf32, #tpu.memory_space<vmem>>, vector<1x400x128xf32>
    %swap3A_35 = vector.shape_cast %swap3A_34 : vector<1x400x128xf32> to vector<400x128xf32>
    %swap3A_36 = vector.shape_cast %slice3A_30 : vector<400x128xf32> to vector<1x400x128xf32>
    tpu.vector_store %arg5[%swap3A_31, %swap3A_32, %swap3A_33], %swap3A_36 {strides = array<i32>} : memref<2x400x128xf32, #tpu.memory_space<vmem>>, vector<1x400x128xf32>,
    return
  }
  func.func @transform_0(%arg0: i32) -> (i32, i32, i32) {
    %c0_i32 = arith.constant 0 : i32
    %c0_i32_0 = arith.constant 0 : i32
    %c0_i32_1 = arith.constant 0 : i32
    return %c0_i32, %arg0, %c0_i32_0 : i32, i32, i32
  }
  func.func @transform_1(%arg0: i32) -> (i32, i32) {
    %c0_i32 = arith.constant 0 : i32
    %c0_i32_0 = arith.constant 0 : i32
    return %arg0, %c0_i32 : i32, i32
  }
  func.func @transform_2(%arg0: i32) -> (i32, i32) {
    %c0_i32 = arith.constant 0 : i32
    %c0_i32_0 = arith.constant 0 : i32
    %c0_i32_1 = arith.constant 0 : i32
    return %c0_i32, %c0_i32_0 : i32, i32
  }
  func.func @transform_3(%arg0: i32) -> (i32, i32) {
    %c0_i32 = arith.constant 0 : i32
    %c0_i32_0 = arith.constant 0 : i32
    %c0_i32_1 = arith.constant 0 : i32
    return %c0_i32, %c0_i32_0 : i32, i32
  }
  func.func @transform_4(%arg0: i32) -> (i32, i32, i32) {
    %c0_i32 = arith.constant 0 : i32
    %c0_i32_0 = arith.constant 0 : i32
    %c0_i32_1 = arith.constant 0 : i32
    return %c0_i32, %arg0, %c0_i32_0 : i32, i32, i32
  }
}

</mosaic_0001>

<sc_bundles>
// kernel: kernel.11.cloned.1.call-start
scs
__scs_entry_jumppad:
0x0: {  	(pc) =	sbr.rel $0x88, $3  }
0x1: {  	(tag) =	ssettag $0x0;
	lr =	simm.s32 $0x1  }
0x2: {  	[smem:$0x3F97] =	sst lr;
	_ =	strace $0xD0000000  }
0x3: {  	_ = 	snop  }
0x4: {  	_ = 	snop  }
0x5: {  	_ = 	snop  }
0x6: {  	_ = 	snop  }
0x7: {  	_ = 	snop  }
__scs_overlays_trampoline_lowered:
0x8: {  	[smem:$0x3FA6] =	sst s0  }
0x9: {  	[smem:$0x3FA7] =	sst s1  }
0xa: {  	[smem:$0x3FA8] =	sst s2  }
0xb: {  	[smem:$0x3FA9] =	sst s3  }
0xc: {  	[smem:$0x3FAA] =	sst s4  }
0xd: {  	[smem:$0x3FAB] =	sst s5  }
0xe: {  	[smem:$0x3FAC] =	sst s6  }
0xf: {  	[smem:$0x3FAD] =	sst s7  }
0x10: {  	[smem:$0x3FAE] =	sst s8  }
0x11: {  	[smem:$0x3FAF] =	sst s9;
	s0 =	simm.s32 @!p0 $0x0  }
0x12: {  	s1 =	sld [smem:$0x3F95];
	s0 =	simm.s32 @p0 $0x1  }
0x13: {  	[smem:$0x3FB0] =	sst s0;
	s0 =	simm.s32 @!p1 $0x0  }
0x14: {  	s2 =	sld [smem:$0x3F94];
	s0 =	simm.s32 @p1 $0x1  }
0x15: {  	[smem:$0x3FB1] =	sst s0;
	s0 =	simm.s32 @!p2 $0x0  }
0x16: {  	s3 =	sld [smem:$0x3FDB];
	s0 =	simm.s32 @p2 $0x1  }
0x17: {  	s4 =	simm.s32 $0x1BF5;
	[smem:$0x3FB3] =	sst s0  }
0x18: {  	s0 =	sld [smem:$0x3F96];
	_ =	swait.ge [sflag:s4], $0x0  }
0x19: {  	s7 =	sld [smem:$0x3F97]  }
0x1a: {  	s8 =	sadd.s32 $0xFFFFE003, lr  }
0x1b: {  	s9 =	sadd.s32 $0xFFFFFEF7, lr;
	s5 =	simm.s32 $0xFFFFFFFF;
	p2 =	slt.u32 s8, $0xFFFFF086  }
0x1c: {  	p1 =	slt.u32 s9, $0xF7A;
	s5 =	simm.s32 @!p2 $0x0  }
0x1d: {  	s5 =	simm.s32 @p1 $0x1;
	p0 =	seq.s32 s7, s2  }
0x1e: {  	s7 =	smul.u32 @!p0 $0xF7A, s2;
	p2 =	seq.s32 @!p0 s5, $0x0  }
0x1f: {  	s9 =	smul.u32 $0xF7A, s1;
	s8 =	simm.s32 @!p0 $0x1BF5;
	p2 =	por !p2, p0  }
0x20: {  	[sflag:s8] =	ssyncset.s32 @!p0 $0xFFFFF086;
	s6 =	sadd.s32 @!p0 s3, s7;
	s7 =	simm.s32 @!p0 $0x108  }
0x21: {  	s3 =	sadd.s32 s3, s9;
	s6 =	sadd.s32 @!p0 $0x88, s6;
	s7 =	simm.s32 @p2 $0x1082  }
0x22: {  	[simem:s7], [sflag:s8] =	dma.local @!p0 [hbm:s6], $0xF7A  }
0x23: {  	s9 =	sor.u32 $0xD0000000, s2;
	s6 =	simm.s32 $0x108;
	_ =	swait.ge @!p0 [sflag:s8], $0x0  }
0x24: {  	s3 =	sadd.s32 $0x88, s3;
	s6 =	simm.s32 @!p1 $0x1082;
	[sflag:s4] =	ssyncset.s32 $0xFFFFF086  }
0x25: {  	[simem:s6], [sflag:s4] =	dma.local [hbm:s3], $0xF7A  }
0x26: {  	[smem:$0x3F97] =	sst s1;
	(tag) =	ssettag s2;
	_ =	strace s9  }
0x27: {  	s1 =	sld [smem:$0x3FA7]  }
0x28: {  	s2 =	sld [smem:$0x3FA8]  }
0x29: {  	s4 =	sld [smem:$0x3FAA]  }
0x2a: {  	p0 =	seq.s32 s5, $0x0;
	s5 =	sld [smem:$0x3FAB]  }
0x2b: {  	s6 =	sld [smem:$0x3FAC]  }
0x2c: {  	s7 =	sld [smem:$0x3FAD]  }
0x2d: {  	s3 =	simm.s32 $0x108;
	s8 =	sld [smem:$0x3FAE]  }
0x2e: {  	s3 =	simm.s32 @!p0 $0x1082;
	s9 =	sld [smem:$0x3FAF]  }
0x2f: {  	lr =	sadd.s32 s0, s3;
	s0 =	sld [smem:$0x3FA6]  }
0x30: {  	s3 =	sld [smem:$0x3FA9]  }
0x31: {  	[smem:$0x3FB2] =	sst s10  }
0x32: {  	s10 =	sld [smem:$0x3FB0];
	_ =	sdelay $0x3  }
0x33: {  	p0 =	seq.s32 s10, $0x1;
	s10 =	sld [smem:$0x3FB2];
	_ =	sdelay $0x3  }
0x34: {  	[smem:$0x3FB2] =	sst s10  }
0x35: {  	s10 =	sld [smem:$0x3FB1];
	_ =	sdelay $0x3  }
0x36: {  	p1 =	seq.s32 s10, $0x1;
	s10 =	sld [smem:$0x3FB2];
	_ =	sdelay $0x3  }
0x37: {  	[smem:$0x3FB2] =	sst s10  }
0x38: {  	s10 =	sld [smem:$0x3FB3]  }
0x39: {  	_ = 	snop;
	(pc) =	sbr.ind lr, $3  }
0x3a: {  	_ = 	snop  }
0x3b: {  	_ = 	snop  }
0x3c: {  	p2 =	seq.s32 s10, $0x1;
	s10 =	sld [smem:$0x3FB2]  }
0x3d: {  	_ =	shalt  }
0x3e: {  	_ =	shalt  }
0x3f: {  	_ =	shalt  }
0x40: {  	_ =	shalt  }
0x41: {  	_ =	shalt  }
0x42: {  	_ =	shalt  }
0x43: {  	_ =	shalt  }
0x44: {  	_ =	shalt  }
0x45: {  	_ =	shalt  }
0x46: {  	_ =	shalt  }
0x47: {  	_ =	shalt  }
0x48: {  	_ =	shalt  }
0x49: {  	_ =	shalt  }
0x4a: {  	_ =	shalt  }
0x4b: {  	_ =	shalt  }
0x4c: {  	_ =	shalt  }
0x4d: {  	_ =	shalt  }
0x4e: {  	_ =	shalt  }
0x4f: {  	_ =	shalt  }
0x50: {  	_ =	shalt  }
0x51: {  	_ =	shalt  }
0x52: {  	_ =	shalt  }
0x53: {  	_ =	shalt  }
0x54: {  	_ =	shalt  }
0x55: {  	_ =	shalt  }
0x56: {  	_ =	shalt  }
0x57: {  	_ =	shalt  }
0x58: {  	_ =	shalt  }
0x59: {  	_ =	shalt  }
0x5a: {  	_ =	shalt  }
0x5b: {  	_ =	shalt  }
0x5c: {  	_ =	shalt  }
0x5d: {  	_ =	shalt  }
0x5e: {  	_ =	shalt  }
0x5f: {  	_ =	shalt  }
0x60: {  	_ =	shalt  }
0x61: {  	_ =	shalt  }
0x62: {  	_ =	shalt  }
0x63: {  	_ =	shalt  }
0x64: {  	_ =	shalt  }
0x65: {  	_ =	shalt  }
0x66: {  	_ =	shalt  }
0x67: {  	_ =	shalt  }
0x68: {  	_ =	shalt  }
0x69: {  	_ =	shalt  }
0x6a: {  	_ =	shalt  }
0x6b: {  	_ =	shalt  }
0x6c: {  	_ =	shalt  }
0x6d: {  	_ =	shalt  }
0x6e: {  	_ =	shalt  }
0x6f: {  	_ =	shalt  }
0x70: {  	_ =	shalt  }
0x71: {  	_ =	shalt  }
0x72: {  	_ =	shalt  }
0x73: {  	_ =	shalt  }
0x74: {  	_ =	shalt  }
0x75: {  	_ =	shalt  }
0x76: {  	_ =	shalt  }
0x77: {  	_ =	shalt  }
0x78: {  	_ =	shalt  }
0x79: {  	_ =	shalt  }
0x7a: {  	_ =	shalt  }
0x7b: {  	_ =	shalt  }
0x7c: {  	_ =	shalt  }
0x7d: {  	_ =	shalt  }
0x7e: {  	_ =	shalt  }
0x7f: {  	_ =	shalt  }
0x80: {  	_ =	shalt  }
0x81: {  	_ =	shalt  }
0x82: {  	_ =	shalt  }
0x83: {  	_ =	shalt  }
0x84: {  	_ =	shalt  }
0x85: {  	_ =	shalt  }
0x86: {  	_ =	shalt  }
0x87: {  	_ =	shalt  }
.Lfunc_end0:
.L_simem_size_0:
called_computation.1_lowered:
.L_overlay_start_0:
0x88: {  	s2 =	sld [smem:$0x3FD9]  }
0x89: {  	s3 =	sld [smem:$0x3FFE];
	_ =	sdelay $0x1  }
0x8a: {  	s1 =	srdreg.scid  }
0x8b: {  	s0 =	sand.u32 $0x1, s1  }
0x8c: {  	s17 =	sshll.u32 s0, $0xA;
	s2 =	sadd.s32 s3, s2  }
0x8d: {  	s2 =	sadd.s32 s2, s17  }
0x8e: {  	[smem:$0x3FBE] =	sst s2  }
0x8f: {  	_ = 	snop  }
0x90: {  	s2 =	sld [smem:$0x3FD0];
	(tm) =	ssettm $0x1  }
0x91: {  	s18 =	sld [smem:$0x3FFB];
	_ =	sdelay $0x3  }
0x92: {  	_ =	strace s18  }
0x93: {  	s3 =	sld [smem:$0x3FFC];
	_ =	sdelay $0x3  }
0x94: {  	_ =	strace s3  }
0x95: {  	s3 =	sld [smem:$0x3FFD];
	_ =	sdelay $0x3  }
0x96: {  	_ =	strace s3  }
0x97: {  	_ =	strace $0x8FFFFFFF  }
0x98: {  	s19 =	sld [smem:$0x3FDB];
	_ =	sdelay $0x1  }
0x99: {  	s4 =	simm.s32 $_scs_section_size  }
0x9a: {  	s5 =	simm.s32 $_size__tile_overlayer_lowered;
	s6 =	simm.s32 $_tile_overlayer_lowered  }
0x9b: {  	s22 =	simm.s32 $0x1BFF;
	s21 =	sshll.u32 s6, $0x1;
	s3 =	sadd.s32 s4, s19  }
0x9c: {  	s7 =	simm.s32 $0x0;
	s20 =	sshll.u32 s5, $0x1;
	s5 =	sadd.s32 s21, s3  }
0x9d: {  	[timem:s7], [sflag:s22] =	dma.local [hbm:s5], s20  }
0x9e: {  	_ =	swait.ge [sflag:s22], s20  }
0x9f: {  	s4 =	ssub.s32 $0x0, s20;
	[sflag:s22] =	ssyncset.done $0x0  }
0xa0: {  	[sflag:s22] =	ssyncadd.s32 s4;
	_ =	sdelay $0x1  }
0xa1: {  	s23 =	simm.s32 $0x1B8B  }
0xa2: {  	_ =	swait.ge [sflag:s23], $0x1  }
0xa3: {  	[sflag:s23] =	ssyncset.done $0x0  }
0xa4: {  	s25 =	simm.s32 $0x1B8E;
	s24 =	sld [smem:$0x3FFE];
	[sflag:s23] =	ssyncadd.s32 $0xFFFFFFFF  }
0xa5: {  	s26 =	simm.s32 $execute0_lowered;
	[smem:$0x3FD2] =	sst s25  }
0xa6: {  	s5 =	sshll.u32 s26, $0x1;
	_ =	strace $0x80000049;
	[dreg:$0x1] =	wrdreg $0xFFFFFFFF  }
0xa7: {  	s28 =	simm.s32 $_size_execute0_lowered;
	s3 =	sadd.s32 s3, s5;
	[dreg:$0x0] =	wrdreg $0x0  }
0xa8: {  	s5 =	sshll.u32 s28, $0x1;
	[dreg:$0x2] =	wrdreg s3  }
0xa9: {  	[dreg:$0x3] =	wrdreg s5  }
0xaa: {  	[dreg:$0x4] =	wrdreg $0xC0  }
0xab: {  	_ =	task [dreg:s7], $0x5FFFF  }
0xac: {  	[dreg:$0x1] =	wrdreg $0xFFFFFFFF  }
0xad: {  	[dreg:$0x0] =	wrdreg $0x60  }
0xae: {  	[dreg:$0x2] =	wrdreg s24  }
0xaf: {  	[dreg:$0x3] =	wrdreg s2  }
0xb0: {  	[dreg:$0x4] =	wrdreg $0x9F000  }
0xb1: {  	[dreg:$0x5] =	wrdreg $0x9  }
0xb2: {  	_ =	task.clear_ibuf [dreg:s7], $0x6FFFF;
	_ =	strace $0x90000049  }
0xb3: {  	s29 =	simm.s32 $0x9;
	_ =	strace $0x8000004B  }
0xb4: {  	_ =	swait.ge [sflag:s29], $0x1  }
0xb5: {  	[sflag:s29] =	ssyncadd.s32 $0xFFFFFFFF  }
0xb6: {  	_ =	strace $0x9000004B  }
0xb7: {  	_ =	sfence  }
0xb8: {  	s30 =	sld [smem:$0x0];
	_ =	sdelay $0x2  }
0xb9: {  	s31 =	sshll.u32 s1, $0xD;
	s1 =	sshrl.u32 s1, $0x2  }
0xba: {  	s3 =	sand.u32 $0x4000, s31;
	s1 =	sadd.s32 s1, s30  }
0xbb: {  	s0 =	sor.u32 s3, s0;
	s1 =	sshll.u32 s1, $0x11  }
0xbc: {  	s0 =	sor.u32 s1, s0  }
0xbd: {  	s0 =	sadd.s32 $0x8F2B, s0  }
0xbe: {  	[sflag:s0] =	ssyncadd.remote.s32 $0x1  }
0xbf: {  	_ =	sfence.sel $0xFFFF  }
0xc0: {  	[dreg:$0x0] =	wrdreg $0xFFFFFFFF;
	(pc) =	sbr.abs _section_cstart, $3  }
0xc1: {  	[dreg:$0x1] =	wrdreg $0xFFFFFFFF  }
0xc2: {  	_ =	task.clear_ibuf [dreg:s7], $0x2FFFF;
	_ =	strace $0x9FFFFFFF  }
0xc3: {  	(tm) =	ssettm $0x7FFFFFFF  }
tec
execute0_lowered:
.L_overlay_start_1:
0x0: {  	(tag) =	ssettag $0x1  }
0x1: {  	s4 =	rddreg [dreg:$0x0]  }
0x2: {  	s5 =	rddreg [dreg:$0x1]  }
0x3: {  	s1 =	rddreg [dreg:$0x2]  }
0x4: {  	s0 =	rddreg [dreg:$0x3];
	s2 =	simm.s32 $0x0  }
0x5: {  	s12 =	stileid.u32;
	s3 =	srdreg.scid;
	s16 =	simm.s32 $0x1  }
0x6: {  	s17 =	simm.s32 $0x2;
	s18 =	simm.s32 $0x50;
	s19 =	simm.s32 $0x4F00  }
0x7: {  	s20 =	simm.s32 $0x7700;
	s21 =	simm.s32 $0x3;
	s6 =	smul.u32 $0x2710, s12  }
0x8: {  	s22 =	simm.s32 $0x4;
	s23 =	simm.s32 $0x4E40;
	s13 =	smul.u32 $0x4E000, s12  }
0x9: {  	[smem:$0x7FF] =	sst s2;
	s7 =	sand.u32 $0x1, s3;
	s26 =	smul.u32 $0x2700, s12  }
0xa: {  	s3 =	sadd.s32 $0x6C00, s4;
	s10 =	sadd.s32 $0x54E00, s4;
	s30 =	smul.u32 $0x13800, s12  }
0xb: {  	s31 =	sshll.u32 s12, $0x6;
	s15 =	sadd.s32 $0x138000, s1;
	p0 =	sne.s32 s12, $0x0  }
0xc: {  	s12 =	simm.s32 $0x2780;
	_ =	strace $0x8000004A;
	s9 =	smul.u32 $0x27100, s7  }
0xd: {  	s24 =	ssub.s32 $0x2, s7;
	s28 =	smul.u32 $0x138800, s7;
	s7 =	sor.u32 $0x1C05, s31  }
0xe: {  	s15 =	sshrl.u32 @!p0 s15, $0x3;
	s8 =	sshrl.u32 s6, $0x3;
	s11 =	sshrl.u32 s24, $0x1  }
0xf: {  	s29 =	sshrl.u32 s13, $0x2;
	s8 =	sadd.s32 s8, s4;
	s6 =	sadd.s32 s6, s9  }
0x10: {  	s11 =	ssub.s32 s24, s11;
	s13 =	sadd.s32 s29, s1;
	s14 =	sshrl.u32 s28, $0x3  }
0x11: {  	s24 =	simm.s32 $0x0;
	s25 =	sshrl.u32 s6, $0x3;
	s6 =	sadd.s32 s26, s9  }
0x12: {  	s14 =	sadd.s32 $0x27000, s14;
	s11 =	smax.u32 s11, $0x1;
	s13 =	sshrl.u32 s13, $0x3  }
0x13: {  	s4 =	sadd.s32 s5, s25;
	s5 =	sadd.s32 $0x1C00, s8;
	s8 =	sadd.s32 s30, s28  }
0x14: {  	s6 =	sadd.s32 s3, s6;
	s9 =	sshrl.u32 s8, $0x3;
	s8 =	sadd.s32 s3, s14  }
0x15: {  	s9 =	sadd.s32 s10, s9;
	s10 =	sadd.s32 s10, s14;
	s14 =	simm.s32 $0x5  }
.LBB2_1:
0x16: {  	[tilespmem:s2], [sflag:$0x1] =	stream.linear.gather [hbm4b:s4+s2], $0x2710, $0x38;
	[tilespmem:$0x1D780] =	vst v63  }
0x17: {  	_ = 	snop  }
0x18: {  	[tilespmem:s12], [sflag:$0x2] =	stream.linear.gather [hbm4b:s5+s2], $0x2710, $0x38;
	[tilespmem:$0x1D780] =	vst v63  }
0x19: {  	[spmem:s13], [sflag:s7] =	dma.local [hbm:s6], $0x2700  }
0x1a: {  	_ =	swait.ge [sflag:s14], $0x2700  }
0x1b: {  	[sflag:s14] =	ssyncset.done $0x0  }
0x1c: {  	s25 =	simm.s32 @!p0 $0x5;
	[sflag:s14] =	ssyncadd.s32 $0xFFFFD900  }
0x1d: {  	[spmem:s15], [sflag:s7] =	dma.local @!p0 [hbm:s8], $0x100  }
0x1e: {  	_ =	swait.ge @!p0 [sflag:s25], $0x100  }
0x1f: {  	[sflag:s25] =	ssyncset.done @!p0 $0x0  }
0x20: {  	[sflag:s25] =	ssyncadd.s32 @!p0 $0xFFFFFF00  }
0x21: {  	_ =	swait.ge [sflag:s16], $0x2710  }
0x22: {  	[sflag:s16] =	ssyncset.done $0x0  }
0x23: {  	[sflag:s16] =	ssyncadd.s32 $0xFFFFD8F0  }
0x24: {  	_ =	swait.ge [sflag:s17], $0x2710  }
0x25: {  	[sflag:s17] =	ssyncset.done $0x0  }
0x26: {  	[sflag:s17] =	ssyncadd.s32 $0xFFFFD8F0  }
0x27: {  	[bflag:$0x0] =	sbarrier.arrive $0xFFFF  }
0x28: {  	[tilespmem:s19], [sflag:$0x1] =	stream.indirect.gather [hbm4b:s3+s18], $0x80, s2, s18, $0xb8;
	[tilespmem:$0x1D780] =	vst v63  }
0x29: {  	s28 =	simm.s32 $0x50  }
0x2a: {  	[tilespmem:s20], [sflag:$0x2] =	stream.indirect.gather [hbm4b:s3+s18], $0x80, s28, s18, $0xb8;
	[tilespmem:$0x1D780] =	vst v63  }
0x2b: {  	_ =	swait.ge [sflag:s16], $0x2800  }
0x2c: {  	[sflag:s16] =	ssyncset.done $0x0  }
0x2d: {  	s29 =	simm.s32 $0x2780;
	[sflag:s16] =	ssyncadd.s32 $0xFFFFD800  }
0x2e: {  	[spmem:s1] =	stream.indirect.scatter.add.f32 [tilespmem:s19], [sflag:$0x3], $0x80, s29, s18, $0xb8;
	[tilespmem:$0x1D780] =	vst v63  }
0x2f: {  	_ =	swait.ge [sflag:s21], $0x2800  }
0x30: {  	[sflag:s21] =	ssyncset.done $0x0  }
0x31: {  	s30 =	simm.s32 $0xA0;
	[sflag:s21] =	ssyncadd.s32 $0xFFFFD800  }
0x32: {  	[tilespmem:s19], [sflag:$0x1] =	stream.indirect.gather [hbm4b:s3+s18], $0x80, s30, s18, $0xb8;
	[tilespmem:$0x1D780] =	vst v63  }
0x33: {  	_ =	swait.ge [sflag:s17], $0x2800  }
0x34: {  	[sflag:s17] =	ssyncset.done $0x0  }
0x35: {  	s31 =	simm.s32 $0x27D0;
	[sflag:s17] =	ssyncadd.s32 $0xFFFFD800  }
0x36: {  	[spmem:s1] =	stream.indirect.scatter.add.f32 [tilespmem:s20], [sflag:$0x4], $0x80, s31, s18, $0xb8;
	[tilespmem:$0x1D780] =	vst v63  }
0x37: {  	_ =	swait.ge [sflag:s22], $0x2800  }
0x38: {  	s26 =	simm.s32 $0x500;
	s25 =	simm.s32 $0xA0;
	[sflag:s22] =	ssyncset.done $0x0  }
.LBB2_2:
0x39: {  	s28 =	sadd.s32 $0x50, s25  }
0x3a: {  	[sflag:s22] =	ssyncadd.s32 $0xFFFFD800;
	s29 =	smov.u32 s26;
	s30 =	sadd.s32 $0x280, s26  }
0x3b: {  	[tilespmem:s20], [sflag:$0x2] =	stream.indirect.gather [hbm4b:s3+s18], $0x80, s28, s18, $0xb8;
	[tilespmem:$0x1D780] =	vst v63  }
0x3c: {  	p1 =	sne.s32 s26, $0x9880;
	_ =	swait.ge [sflag:s16], $0x2800  }
0x3d: {  	[sflag:s16] =	ssyncset.done $0x0  }
0x3e: {  	s26 =	sadd.s32 $0x2780, s25;
	[sflag:s16] =	ssyncadd.s32 $0xFFFFD800  }
0x3f: {  	[spmem:s1] =	stream.indirect.scatter.add.f32 [tilespmem:s19], [sflag:$0x3], $0x80, s26, s18, $0xb8;
	[tilespmem:$0x1D780] =	vst v63  }
0x40: {  	_ =	swait.ge [sflag:s21], $0x2800  }
0x41: {  	[sflag:s21] =	ssyncset.done $0x0  }
0x42: {  	s26 =	sadd.s32 $0xA0, s25;
	[sflag:s21] =	ssyncadd.s32 $0xFFFFD800  }
0x43: {  	[tilespmem:s19], [sflag:$0x1] =	stream.indirect.gather [hbm4b:s3+s18], $0x80, s26, s18, $0xb8;
	[tilespmem:$0x1D780] =	vst v63  }
0x44: {  	_ =	swait.ge [sflag:s17], $0x2800  }
.Ltmp0:
0x45: {  	[sflag:s17] =	ssyncset.done $0x0;
	(pc) =	sbr.rel @p1 .LBB2_2-.Ltmp0, $4  }
0x46: {  	s25 =	sadd.s32 $0x27D0, s25;
	[sflag:s17] =	ssyncadd.s32 $0xFFFFD800  }
0x47: {  	[spmem:s1] =	stream.indirect.scatter.add.f32 [tilespmem:s20], [sflag:$0x4], $0x80, s25, s18, $0xb8;
	[tilespmem:$0x1D780] =	vst v63  }
0x48: {  	_ =	swait.ge [sflag:s22], $0x2800  }
0x49: {  	s26 =	smov.u32 s30;
	s25 =	sshra.s32 s29, $0x2;
	[sflag:s22] =	ssyncset.done $0x0  }
0x4a: {  	s26 =	sadd.s32 $0x50, s25;
	[sflag:s22] =	ssyncadd.s32 $0xFFFFD800  }
0x4b: {  	[tilespmem:s20], [sflag:$0x2] =	stream.indirect.gather [hbm4b:s3+s18], $0x80, s26, s18, $0xb8;
	[tilespmem:$0x1D780] =	vst v63  }
0x4c: {  	_ =	swait.ge [sflag:s16], $0x2800  }
0x4d: {  	[sflag:s16] =	ssyncset.done $0x0  }
0x4e: {  	s29 =	sadd.s32 $0x2780, s25;
	[sflag:s16] =	ssyncadd.s32 $0xFFFFD800  }
0x4f: {  	[spmem:s1] =	stream.indirect.scatter.add.f32 [tilespmem:s19], [sflag:$0x3], $0x80, s29, s18, $0xb8;
	[tilespmem:$0x1D780] =	vst v63  }
0x50: {  	_ =	swait.ge [sflag:s21], $0x2800  }
0x51: {  	[sflag:s21] =	ssyncset.done $0x0  }
0x52: {  	s30 =	sadd.s32 $0xA0, s25;
	[sflag:s21] =	ssyncadd.s32 $0xFFFFD800  }
0x53: {  	[tilespmem:s19], [sflag:$0x1] =	stream.indirect.gather [hbm4b:s3+s18], $0x80, s30, s18, $0xb8;
	[tilespmem:$0x1D780] =	vst v63  }
0x54: {  	_ =	swait.ge [sflag:s17], $0x2800  }
0x55: {  	[sflag:s17] =	ssyncset.done $0x0  }
0x56: {  	s31 =	sadd.s32 $0x27D0, s25;
	[sflag:s17] =	ssyncadd.s32 $0xFFFFD800  }
0x57: {  	[spmem:s1] =	stream.indirect.scatter.add.f32 [tilespmem:s20], [sflag:$0x4], $0x80, s31, s18, $0xb8;
	[tilespmem:$0x1D780] =	vst v63  }
0x58: {  	_ =	swait.ge [sflag:s22], $0x2800  }
0x59: {  	[sflag:s22] =	ssyncset.done $0x0  }
0x5a: {  	[sflag:s22] =	ssyncadd.s32 $0xFFFFD800  }
0x5b: {  	_ =	swait.ge [sflag:s16], $0x2800  }
0x5c: {  	[sflag:s16] =	ssyncset.done $0x0  }
0x5d: {  	[sflag:s16] =	ssyncadd.s32 $0xFFFFD800  }
0x5e: {  	[spmem:s1] =	stream.indirect.scatter.add.f32 [tilespmem:s19], [sflag:$0x3], $0x80, s23, s18, $0xb8;
	[tilespmem:$0x1D780] =	vst v63  }
0x5f: {  	_ =	swait.ge [sflag:s21], $0x2800  }
0x60: {  	[sflag:s21] =	ssyncset.done $0x0  }
0x61: {  	[sflag:s21] =	ssyncadd.s32 $0xFFFFD800  }
0x62: {  	[bflag:$0x0] =	sbarrier.arrive $0xFFFF  }
0x63: {  	[hbm:s9], [sflag:s7] =	dma.local [spmem:s13], $0x2700  }
0x64: {  	s24 =	sadd.s32 $0x1, s24;
	_ =	swait.ge [sflag:s14], $0x2700  }
0x65: {  	p1 =	sne.s32 s24, s11;
	[sflag:s14] =	ssyncset.done $0x0  }
.Ltmp1:
0x66: {  	s25 =	simm.s32 @!p0 $0x5;
	[sflag:s14] =	ssyncadd.s32 $0xFFFFD900;
	(pc) =	sbr.rel @p1 .LBB2_1-.Ltmp1, $4  }
0x67: {  	[hbm:s10], [sflag:s7] =	dma.local @!p0 [spmem:s15], $0x100  }
0x68: {  	_ =	swait.ge @!p0 [sflag:s25], $0x100  }
0x69: {  	[sflag:s25] =	ssyncset.done @!p0 $0x0  }
0x6a: {  	[sflag:s25] =	ssyncadd.s32 @!p0 $0xFFFFFF00  }
0x6b: {  	_ =	sfence.sel $0x180000  }
0x6c: {  	[bflag:$0x0] =	sbarrier.arrive $0xFFFF  }
0x6d: {  	_ =	strace $0x9000004A  }
0x6e: {  	s0 =	sadd.s32 @!p0 $0x100000, s0;
	[bflag:$0x2] =	sbarrier.arrive $0xFFFF  }
0x6f: {  	[sflag:s0] =	ssyncadd.tile.s32 @!p0 $0x1;
	_ =	shalt  }
.Lfunc_end2:
_tile_overlayer_lowered:
.L_overlay_start_2:
0x70: {  	(tag) =	ssettag $0x2  }
0x71: {  	s0 =	rddreg [dreg:$0x0];
	s2 =	stileid.u32  }
0x72: {  	s1 =	rddreg [dreg:$0x1];
	p0 =	sne.s32 s2, $0x0  }
0x73: {  	s3 =	rddreg [dreg:$0x2];
	[bflag:$0x3] =	sbarrier.arrive $0xFFFF;
	s2 =	simm.s32 @!p0 $0x1C05  }
0x74: {  	[timem:s3], [sflag:s2] =	dma.local @!p0 [hbm:s0], s1  }
0x75: {  	s0 =	simm.s32 @!p0 $0x5  }
0x76: {  	_ =	swait.ge @!p0 [sflag:s0], s1  }
0x77: {  	s1 =	ssub.s32 @!p0 $0x0, s1;
	[sflag:s0] =	ssyncset.done @!p0 $0x0  }
0x78: {  	[sflag:s0] =	ssyncadd.s32 @!p0 s1  }
0x79: {  	[bflag:$0x3] =	sbarrier.arrive $0xFFFF  }
0x7a: {  	_ =	shalt  }

// kernel: kernel.14.cloned.1.call-start
scs
__scs_entry_jumppad:
0x0: {  	(pc) =	sbr.rel $0x88, $3  }
0x1: {  	(tag) =	ssettag $0x0;
	lr =	simm.s32 $0x1  }
0x2: {  	[smem:$0x3F97] =	sst lr;
	_ =	strace $0xD0000000  }
0x3: {  	_ = 	snop  }
0x4: {  	_ = 	snop  }
0x5: {  	_ = 	snop  }
0x6: {  	_ = 	snop  }
0x7: {  	_ = 	snop  }
__scs_overlays_trampoline_lowered:
0x8: {  	[smem:$0x3FA6] =	sst s0  }
0x9: {  	[smem:$0x3FA7] =	sst s1  }
0xa: {  	[smem:$0x3FA8] =	sst s2  }
0xb: {  	[smem:$0x3FA9] =	sst s3  }
0xc: {  	[smem:$0x3FAA] =	sst s4  }
0xd: {  	[smem:$0x3FAB] =	sst s5  }
0xe: {  	[smem:$0x3FAC] =	sst s6  }
0xf: {  	[smem:$0x3FAD] =	sst s7  }
0x10: {  	[smem:$0x3FAE] =	sst s8  }
0x11: {  	[smem:$0x3FAF] =	sst s9;
	s0 =	simm.s32 @!p0 $0x0  }
0x12: {  	s1 =	sld [smem:$0x3F95];
	s0 =	simm.s32 @p0 $0x1  }
0x13: {  	[smem:$0x3FB0] =	sst s0;
	s0 =	simm.s32 @!p1 $0x0  }
0x14: {  	s2 =	sld [smem:$0x3F94];
	s0 =	simm.s32 @p1 $0x1  }
0x15: {  	[smem:$0x3FB1] =	sst s0;
	s0 =	simm.s32 @!p2 $0x0  }
0x16: {  	s3 =	sld [smem:$0x3FDB];
	s0 =	simm.s32 @p2 $0x1  }
0x17: {  	s4 =	simm.s32 $0x1BF5;
	[smem:$0x3FB3] =	sst s0  }
0x18: {  	s0 =	sld [smem:$0x3F96];
	_ =	swait.ge [sflag:s4], $0x0  }
0x19: {  	s7 =	sld [smem:$0x3F97]  }
0x1a: {  	s8 =	sadd.s32 $0xFFFFE003, lr  }
0x1b: {  	s9 =	sadd.s32 $0xFFFFFEF7, lr;
	s5 =	simm.s32 $0xFFFFFFFF;
	p2 =	slt.u32 s8, $0xFFFFF086  }
0x1c: {  	p1 =	slt.u32 s9, $0xF7A;
	s5 =	simm.s32 @!p2 $0x0  }
0x1d: {  	s5 =	simm.s32 @p1 $0x1;
	p0 =	seq.s32 s7, s2  }
0x1e: {  	s7 =	smul.u32 @!p0 $0xF7A, s2;
	p2 =	seq.s32 @!p0 s5, $0x0  }
0x1f: {  	s9 =	smul.u32 $0xF7A, s1;
	s8 =	simm.s32 @!p0 $0x1BF5;
	p2 =	por !p2, p0  }
0x20: {  	[sflag:s8] =	ssyncset.s32 @!p0 $0xFFFFF086;
	s6 =	sadd.s32 @!p0 s3, s7;
	s7 =	simm.s32 @!p0 $0x108  }
0x21: {  	s3 =	sadd.s32 s3, s9;
	s6 =	sadd.s32 @!p0 $0x88, s6;
	s7 =	simm.s32 @p2 $0x1082  }
0x22: {  	[simem:s7], [sflag:s8] =	dma.local @!p0 [hbm:s6], $0xF7A  }
0x23: {  	s9 =	sor.u32 $0xD0000000, s2;
	s6 =	simm.s32 $0x108;
	_ =	swait.ge @!p0 [sflag:s8], $0x0  }
0x24: {  	s3 =	sadd.s32 $0x88, s3;
	s6 =	simm.s32 @!p1 $0x1082;
	[sflag:s4] =	ssyncset.s32 $0xFFFFF086  }
0x25: {  	[simem:s6], [sflag:s4] =	dma.local [hbm:s3], $0xF7A  }
0x26: {  	[smem:$0x3F97] =	sst s1;
	(tag) =	ssettag s2;
	_ =	strace s9  }
0x27: {  	s1 =	sld [smem:$0x3FA7]  }
0x28: {  	s2 =	sld [smem:$0x3FA8]  }
0x29: {  	s4 =	sld [smem:$0x3FAA]  }
0x2a: {  	p0 =	seq.s32 s5, $0x0;
	s5 =	sld [smem:$0x3FAB]  }
0x2b: {  	s6 =	sld [smem:$0x3FAC]  }
0x2c: {  	s7 =	sld [smem:$0x3FAD]  }
0x2d: {  	s3 =	simm.s32 $0x108;
	s8 =	sld [smem:$0x3FAE]  }
0x2e: {  	s3 =	simm.s32 @!p0 $0x1082;
	s9 =	sld [smem:$0x3FAF]  }
0x2f: {  	lr =	sadd.s32 s0, s3;
	s0 =	sld [smem:$0x3FA6]  }
0x30: {  	s3 =	sld [smem:$0x3FA9]  }
0x31: {  	[smem:$0x3FB2] =	sst s10  }
0x32: {  	s10 =	sld [smem:$0x3FB0];
	_ =	sdelay $0x3  }
0x33: {  	p0 =	seq.s32 s10, $0x1;
	s10 =	sld [smem:$0x3FB2];
	_ =	sdelay $0x3  }
0x34: {  	[smem:$0x3FB2] =	sst s10  }
0x35: {  	s10 =	sld [smem:$0x3FB1];
	_ =	sdelay $0x3  }
0x36: {  	p1 =	seq.s32 s10, $0x1;
	s10 =	sld [smem:$0x3FB2];
	_ =	sdelay $0x3  }
0x37: {  	[smem:$0x3FB2] =	sst s10  }
0x38: {  	s10 =	sld [smem:$0x3FB3]  }
0x39: {  	_ = 	snop;
	(pc) =	sbr.ind lr, $3  }
0x3a: {  	_ = 	snop  }
0x3b: {  	_ = 	snop  }
0x3c: {  	p2 =	seq.s32 s10, $0x1;
	s10 =	sld [smem:$0x3FB2]  }
0x3d: {  	_ =	shalt  }
0x3e: {  	_ =	shalt  }
0x3f: {  	_ =	shalt  }
0x40: {  	_ =	shalt  }
0x41: {  	_ =	shalt  }
0x42: {  	_ =	shalt  }
0x43: {  	_ =	shalt  }
0x44: {  	_ =	shalt  }
0x45: {  	_ =	shalt  }
0x46: {  	_ =	shalt  }
0x47: {  	_ =	shalt  }
0x48: {  	_ =	shalt  }
0x49: {  	_ =	shalt  }
0x4a: {  	_ =	shalt  }
0x4b: {  	_ =	shalt  }
0x4c: {  	_ =	shalt  }
0x4d: {  	_ =	shalt  }
0x4e: {  	_ =	shalt  }
0x4f: {  	_ =	shalt  }
0x50: {  	_ =	shalt  }
0x51: {  	_ =	shalt  }
0x52: {  	_ =	shalt  }
0x53: {  	_ =	shalt  }
0x54: {  	_ =	shalt  }
0x55: {  	_ =	shalt  }
0x56: {  	_ =	shalt  }
0x57: {  	_ =	shalt  }
0x58: {  	_ =	shalt  }
0x59: {  	_ =	shalt  }
0x5a: {  	_ =	shalt  }
0x5b: {  	_ =	shalt  }
0x5c: {  	_ =	shalt  }
0x5d: {  	_ =	shalt  }
0x5e: {  	_ =	shalt  }
0x5f: {  	_ =	shalt  }
0x60: {  	_ =	shalt  }
0x61: {  	_ =	shalt  }
0x62: {  	_ =	shalt  }
0x63: {  	_ =	shalt  }
0x64: {  	_ =	shalt  }
0x65: {  	_ =	shalt  }
0x66: {  	_ =	shalt  }
0x67: {  	_ =	shalt  }
0x68: {  	_ =	shalt  }
0x69: {  	_ =	shalt  }
0x6a: {  	_ =	shalt  }
0x6b: {  	_ =	shalt  }
0x6c: {  	_ =	shalt  }
0x6d: {  	_ =	shalt  }
0x6e: {  	_ =	shalt  }
0x6f: {  	_ =	shalt  }
0x70: {  	_ =	shalt  }
0x71: {  	_ =	shalt  }
0x72: {  	_ =	shalt  }
0x73: {  	_ =	shalt  }
0x74: {  	_ =	shalt  }
0x75: {  	_ =	shalt  }
0x76: {  	_ =	shalt  }
0x77: {  	_ =	shalt  }
0x78: {  	_ =	shalt  }
0x79: {  	_ =	shalt  }
0x7a: {  	_ =	shalt  }
0x7b: {  	_ =	shalt  }
0x7c: {  	_ =	shalt  }
0x7d: {  	_ =	shalt  }
0x7e: {  	_ =	shalt  }
0x7f: {  	_ =	shalt  }
0x80: {  	_ =	shalt  }
0x81: {  	_ =	shalt  }
0x82: {  	_ =	shalt  }
0x83: {  	_ =	shalt  }
0x84: {  	_ =	shalt  }
0x85: {  	_ =	shalt  }
0x86: {  	_ =	shalt  }
0x87: {  	_ =	shalt  }
.Lfunc_end0:
.L_simem_size_0:
called_computation.2_lowered:
.L_overlay_start_0:
0x88: {  	s2 =	sld [smem:$0x3FD9]  }
0x89: {  	s3 =	sld [smem:$0x3FFE];
	_ =	sdelay $0x1  }
0x8a: {  	s1 =	srdreg.scid  }
0x8b: {  	s0 =	sand.u32 $0x1, s1  }
0x8c: {  	s17 =	sshll.u32 s0, $0xA;
	s2 =	sadd.s32 s3, s2  }
0x8d: {  	s2 =	sadd.s32 s2, s17  }
0x8e: {  	[smem:$0x3FBE] =	sst s2  }
0x8f: {  	_ = 	snop  }
0x90: {  	s2 =	sld [smem:$0x3FD0];
	(tm) =	ssettm $0x1  }
0x91: {  	s18 =	sld [smem:$0x3FFB];
	_ =	sdelay $0x3  }
0x92: {  	_ =	strace s18  }
0x93: {  	s3 =	sld [smem:$0x3FFC];
	_ =	sdelay $0x3  }
0x94: {  	_ =	strace s3  }
0x95: {  	s3 =	sld [smem:$0x3FFD];
	_ =	sdelay $0x3  }
0x96: {  	_ =	strace s3  }
0x97: {  	_ =	strace $0x8FFFFFFF  }
0x98: {  	s19 =	sld [smem:$0x3FDB];
	_ =	sdelay $0x1  }
0x99: {  	s4 =	simm.s32 $_scs_section_size  }
0x9a: {  	s5 =	simm.s32 $_size__tile_overlayer_lowered;
	s6 =	simm.s32 $_tile_overlayer_lowered  }
0x9b: {  	s22 =	simm.s32 $0x1BFF;
	s21 =	sshll.u32 s6, $0x1;
	s3 =	sadd.s32 s4, s19  }
0x9c: {  	s7 =	simm.s32 $0x0;
	s20 =	sshll.u32 s5, $0x1;
	s5 =	sadd.s32 s21, s3  }
0x9d: {  	[timem:s7], [sflag:s22] =	dma.local [hbm:s5], s20  }
0x9e: {  	_ =	swait.ge [sflag:s22], s20  }
0x9f: {  	s4 =	ssub.s32 $0x0, s20;
	[sflag:s22] =	ssyncset.done $0x0  }
0xa0: {  	[sflag:s22] =	ssyncadd.s32 s4;
	_ =	sdelay $0x1  }
0xa1: {  	s23 =	simm.s32 $0x1B8B  }
0xa2: {  	_ =	swait.ge [sflag:s23], $0x1  }
0xa3: {  	[sflag:s23] =	ssyncset.done $0x0  }
0xa4: {  	s25 =	simm.s32 $0x1B8E;
	s24 =	sld [smem:$0x3FFE];
	[sflag:s23] =	ssyncadd.s32 $0xFFFFFFFF  }
0xa5: {  	s26 =	simm.s32 $execute0_lowered;
	[smem:$0x3FD2] =	sst s25  }
0xa6: {  	s5 =	sshll.u32 s26, $0x1;
	_ =	strace $0x8000004C;
	[dreg:$0x1] =	wrdreg $0xFFFFFFFF  }
0xa7: {  	s28 =	simm.s32 $_size_execute0_lowered;
	s3 =	sadd.s32 s3, s5;
	[dreg:$0x0] =	wrdreg $0x0  }
0xa8: {  	s5 =	sshll.u32 s28, $0x1;
	[dreg:$0x2] =	wrdreg s3  }
0xa9: {  	[dreg:$0x3] =	wrdreg s5  }
0xaa: {  	[dreg:$0x4] =	wrdreg $0xC0  }
0xab: {  	_ =	task [dreg:s7], $0x5FFFF  }
0xac: {  	[dreg:$0x1] =	wrdreg $0xFFFFFFFF  }
0xad: {  	[dreg:$0x0] =	wrdreg $0x60  }
0xae: {  	[dreg:$0x2] =	wrdreg s24  }
0xaf: {  	[dreg:$0x3] =	wrdreg s2  }
0xb0: {  	[dreg:$0x4] =	wrdreg $0x9F000  }
0xb1: {  	[dreg:$0x5] =	wrdreg $0x9  }
0xb2: {  	_ =	task.clear_ibuf [dreg:s7], $0x6FFFF;
	_ =	strace $0x9000004C  }
0xb3: {  	s29 =	simm.s32 $0x9;
	_ =	strace $0x8000004E  }
0xb4: {  	_ =	swait.ge [sflag:s29], $0x1  }
0xb5: {  	[sflag:s29] =	ssyncadd.s32 $0xFFFFFFFF  }
0xb6: {  	_ =	strace $0x9000004E  }
0xb7: {  	_ =	sfence  }
0xb8: {  	s30 =	sld [smem:$0x0];
	_ =	sdelay $0x2  }
0xb9: {  	s31 =	sshll.u32 s1, $0xD;
	s1 =	sshrl.u32 s1, $0x2  }
0xba: {  	s3 =	sand.u32 $0x4000, s31;
	s1 =	sadd.s32 s1, s30  }
0xbb: {  	s0 =	sor.u32 s3, s0;
	s1 =	sshll.u32 s1, $0x11  }
0xbc: {  	s0 =	sor.u32 s1, s0  }
0xbd: {  	s0 =	sadd.s32 $0x8F2B, s0  }
0xbe: {  	[sflag:s0] =	ssyncadd.remote.s32 $0x1  }
0xbf: {  	_ =	sfence.sel $0xFFFF  }
0xc0: {  	[dreg:$0x0] =	wrdreg $0xFFFFFFFF;
	(pc) =	sbr.abs _section_cstart, $3  }
0xc1: {  	[dreg:$0x1] =	wrdreg $0xFFFFFFFF  }
0xc2: {  	_ =	task.clear_ibuf [dreg:s7], $0x2FFFF;
	_ =	strace $0x9FFFFFFF  }
0xc3: {  	(tm) =	ssettm $0x7FFFFFFF  }
tec
execute0_lowered:
.L_overlay_start_1:
0x0: {  	(tag) =	ssettag $0x1  }
0x1: {  	s4 =	rddreg [dreg:$0x0]  }
0x2: {  	s5 =	rddreg [dreg:$0x1]  }
0x3: {  	s1 =	rddreg [dreg:$0x2]  }
0x4: {  	s0 =	rddreg [dreg:$0x3];
	s2 =	simm.s32 $0x0  }
0x5: {  	s12 =	stileid.u32;
	s3 =	srdreg.scid;
	s16 =	simm.s32 $0x1  }
0x6: {  	s17 =	simm.s32 $0x2;
	s18 =	simm.s32 $0x50;
	s19 =	simm.s32 $0x4F00  }
0x7: {  	s20 =	simm.s32 $0x7700;
	s21 =	simm.s32 $0x3;
	s6 =	smul.u32 $0x2710, s12  }
0x8: {  	s22 =	simm.s32 $0x4;
	s23 =	simm.s32 $0x4E40;
	s13 =	smul.u32 $0x4E000, s12  }
0x9: {  	[smem:$0x7FF] =	sst s2;
	s7 =	sand.u32 $0x1, s3;
	s26 =	smul.u32 $0x2700, s12  }
0xa: {  	s3 =	sadd.s32 $0x6C00, s4;
	s10 =	sadd.s32 $0x54E00, s4;
	s30 =	smul.u32 $0x13800, s12  }
0xb: {  	s31 =	sshll.u32 s12, $0x6;
	s15 =	sadd.s32 $0x138000, s1;
	p0 =	sne.s32 s12, $0x0  }
0xc: {  	s12 =	simm.s32 $0x2780;
	_ =	strace $0x8000004D;
	s9 =	smul.u32 $0x27100, s7  }
0xd: {  	s24 =	ssub.s32 $0x2, s7;
	s28 =	smul.u32 $0x138800, s7;
	s7 =	sor.u32 $0x1C05, s31  }
0xe: {  	s15 =	sshrl.u32 @!p0 s15, $0x3;
	s8 =	sshrl.u32 s6, $0x3;
	s11 =	sshrl.u32 s24, $0x1  }
0xf: {  	s29 =	sshrl.u32 s13, $0x2;
	s8 =	sadd.s32 s8, s4;
	s6 =	sadd.s32 s6, s9  }
0x10: {  	s11 =	ssub.s32 s24, s11;
	s13 =	sadd.s32 s29, s1;
	s14 =	sshrl.u32 s28, $0x3  }
0x11: {  	s24 =	simm.s32 $0x0;
	s25 =	sshrl.u32 s6, $0x3;
	s6 =	sadd.s32 s26, s9  }
0x12: {  	s14 =	sadd.s32 $0x27000, s14;
	s11 =	smax.u32 s11, $0x1;
	s13 =	sshrl.u32 s13, $0x3  }
0x13: {  	s4 =	sadd.s32 s5, s25;
	s5 =	sadd.s32 $0x1C00, s8;
	s8 =	sadd.s32 s30, s28  }
0x14: {  	s6 =	sadd.s32 s3, s6;
	s9 =	sshrl.u32 s8, $0x3;
	s8 =	sadd.s32 s3, s14  }
0x15: {  	s9 =	sadd.s32 s10, s9;
	s10 =	sadd.s32 s10, s14;
	s14 =	simm.s32 $0x5  }
.LBB2_1:
0x16: {  	[tilespmem:s2], [sflag:$0x1] =	stream.linear.gather [hbm4b:s4+s2], $0x2710, $0x38;
	[tilespmem:$0x1D780] =	vst v63  }
0x17: {  	_ = 	snop  }
0x18: {  	[tilespmem:s12], [sflag:$0x2] =	stream.linear.gather [hbm4b:s5+s2], $0x2710, $0x38;
	[tilespmem:$0x1D780] =	vst v63  }
0x19: {  	[spmem:s13], [sflag:s7] =	dma.local [hbm:s6], $0x2700  }
0x1a: {  	_ =	swait.ge [sflag:s14], $0x2700  }
0x1b: {  	[sflag:s14] =	ssyncset.done $0x0  }
0x1c: {  	s25 =	simm.s32 @!p0 $0x5;
	[sflag:s14] =	ssyncadd.s32 $0xFFFFD900  }
0x1d: {  	[spmem:s15], [sflag:s7] =	dma.local @!p0 [hbm:s8], $0x100  }
0x1e: {  	_ =	swait.ge @!p0 [sflag:s25], $0x100  }
0x1f: {  	[sflag:s25] =	ssyncset.done @!p0 $0x0  }
0x20: {  	[sflag:s25] =	ssyncadd.s32 @!p0 $0xFFFFFF00  }
0x21: {  	_ =	swait.ge [sflag:s16], $0x2710  }
0x22: {  	[sflag:s16] =	ssyncset.done $0x0  }
0x23: {  	[sflag:s16] =	ssyncadd.s32 $0xFFFFD8F0  }
0x24: {  	_ =	swait.ge [sflag:s17], $0x2710  }
0x25: {  	[sflag:s17] =	ssyncset.done $0x0  }
0x26: {  	[sflag:s17] =	ssyncadd.s32 $0xFFFFD8F0  }
0x27: {  	[bflag:$0x0] =	sbarrier.arrive $0xFFFF  }
0x28: {  	[tilespmem:s19], [sflag:$0x1] =	stream.indirect.gather [hbm4b:s3+s18], $0x80, s2, s18, $0xb8;
	[tilespmem:$0x1D780] =	vst v63  }
0x29: {  	s28 =	simm.s32 $0x50  }
0x2a: {  	[tilespmem:s20], [sflag:$0x2] =	stream.indirect.gather [hbm4b:s3+s18], $0x80, s28, s18, $0xb8;
	[tilespmem:$0x1D780] =	vst v63  }
0x2b: {  	_ =	swait.ge [sflag:s16], $0x2800  }
0x2c: {  	[sflag:s16] =	ssyncset.done $0x0  }
0x2d: {  	s29 =	simm.s32 $0x2780;
	[sflag:s16] =	ssyncadd.s32 $0xFFFFD800  }
0x2e: {  	[spmem:s1] =	stream.indirect.scatter.add.f32 [tilespmem:s19], [sflag:$0x3], $0x80, s29, s18, $0xb8;
	[tilespmem:$0x1D780] =	vst v63  }
0x2f: {  	_ =	swait.ge [sflag:s21], $0x2800  }
0x30: {  	[sflag:s21] =	ssyncset.done $0x0  }
0x31: {  	s30 =	simm.s32 $0xA0;
	[sflag:s21] =	ssyncadd.s32 $0xFFFFD800  }
0x32: {  	[tilespmem:s19], [sflag:$0x1] =	stream.indirect.gather [hbm4b:s3+s18], $0x80, s30, s18, $0xb8;
	[tilespmem:$0x1D780] =	vst v63  }
0x33: {  	_ =	swait.ge [sflag:s17], $0x2800  }
0x34: {  	[sflag:s17] =	ssyncset.done $0x0  }
0x35: {  	s31 =	simm.s32 $0x27D0;
	[sflag:s17] =	ssyncadd.s32 $0xFFFFD800  }
0x36: {  	[spmem:s1] =	stream.indirect.scatter.add.f32 [tilespmem:s20], [sflag:$0x4], $0x80, s31, s18, $0xb8;
	[tilespmem:$0x1D780] =	vst v63  }
0x37: {  	_ =	swait.ge [sflag:s22], $0x2800  }
0x38: {  	s26 =	simm.s32 $0x500;
	s25 =	simm.s32 $0xA0;
	[sflag:s22] =	ssyncset.done $0x0  }
.LBB2_2:
0x39: {  	s28 =	sadd.s32 $0x50, s25  }
0x3a: {  	[sflag:s22] =	ssyncadd.s32 $0xFFFFD800;
	s29 =	smov.u32 s26;
	s30 =	sadd.s32 $0x280, s26  }
0x3b: {  	[tilespmem:s20], [sflag:$0x2] =	stream.indirect.gather [hbm4b:s3+s18], $0x80, s28, s18, $0xb8;
	[tilespmem:$0x1D780] =	vst v63  }
0x3c: {  	p1 =	sne.s32 s26, $0x9880;
	_ =	swait.ge [sflag:s16], $0x2800  }
0x3d: {  	[sflag:s16] =	ssyncset.done $0x0  }
0x3e: {  	s26 =	sadd.s32 $0x2780, s25;
	[sflag:s16] =	ssyncadd.s32 $0xFFFFD800  }
0x3f: {  	[spmem:s1] =	stream.indirect.scatter.add.f32 [tilespmem:s19], [sflag:$0x3], $0x80, s26, s18, $0xb8;
	[tilespmem:$0x1D780] =	vst v63  }
0x40: {  	_ =	swait.ge [sflag:s21], $0x2800  }
0x41: {  	[sflag:s21] =	ssyncset.done $0x0  }
0x42: {  	s26 =	sadd.s32 $0xA0, s25;
	[sflag:s21] =	ssyncadd.s32 $0xFFFFD800  }
0x43: {  	[tilespmem:s19], [sflag:$0x1] =	stream.indirect.gather [hbm4b:s3+s18], $0x80, s26, s18, $0xb8;
	[tilespmem:$0x1D780] =	vst v63  }
0x44: {  	_ =	swait.ge [sflag:s17], $0x2800  }
.Ltmp0:
0x45: {  	[sflag:s17] =	ssyncset.done $0x0;
	(pc) =	sbr.rel @p1 .LBB2_2-.Ltmp0, $4  }
0x46: {  	s25 =	sadd.s32 $0x27D0, s25;
	[sflag:s17] =	ssyncadd.s32 $0xFFFFD800  }
0x47: {  	[spmem:s1] =	stream.indirect.scatter.add.f32 [tilespmem:s20], [sflag:$0x4], $0x80, s25, s18, $0xb8;
	[tilespmem:$0x1D780] =	vst v63  }
0x48: {  	_ =	swait.ge [sflag:s22], $0x2800  }
0x49: {  	s26 =	smov.u32 s30;
	s25 =	sshra.s32 s29, $0x2;
	[sflag:s22] =	ssyncset.done $0x0  }
0x4a: {  	s26 =	sadd.s32 $0x50, s25;
	[sflag:s22] =	ssyncadd.s32 $0xFFFFD800  }
0x4b: {  	[tilespmem:s20], [sflag:$0x2] =	stream.indirect.gather [hbm4b:s3+s18], $0x80, s26, s18, $0xb8;
	[tilespmem:$0x1D780] =	vst v63  }
0x4c: {  	_ =	swait.ge [sflag:s16], $0x2800  }
0x4d: {  	[sflag:s16] =	ssyncset.done $0x0  }
0x4e: {  	s29 =	sadd.s32 $0x2780, s25;
	[sflag:s16] =	ssyncadd.s32 $0xFFFFD800  }
0x4f: {  	[spmem:s1] =	stream.indirect.scatter.add.f32 [tilespmem:s19], [sflag:$0x3], $0x80, s29, s18, $0xb8;
	[tilespmem:$0x1D780] =	vst v63  }
0x50: {  	_ =	swait.ge [sflag:s21], $0x2800  }
0x51: {  	[sflag:s21] =	ssyncset.done $0x0  }
0x52: {  	s30 =	sadd.s32 $0xA0, s25;
	[sflag:s21] =	ssyncadd.s32 $0xFFFFD800  }
0x53: {  	[tilespmem:s19], [sflag:$0x1] =	stream.indirect.gather [hbm4b:s3+s18], $0x80, s30, s18, $0xb8;
	[tilespmem:$0x1D780] =	vst v63  }
0x54: {  	_ =	swait.ge [sflag:s17], $0x2800  }
0x55: {  	[sflag:s17] =	ssyncset.done $0x0  }
0x56: {  	s31 =	sadd.s32 $0x27D0, s25;
	[sflag:s17] =	ssyncadd.s32 $0xFFFFD800  }
0x57: {  	[spmem:s1] =	stream.indirect.scatter.add.f32 [tilespmem:s20], [sflag:$0x4], $0x80, s31, s18, $0xb8;
	[tilespmem:$0x1D780] =	vst v63  }
0x58: {  	_ =	swait.ge [sflag:s22], $0x2800  }
0x59: {  	[sflag:s22] =	ssyncset.done $0x0  }
0x5a: {  	[sflag:s22] =	ssyncadd.s32 $0xFFFFD800  }
0x5b: {  	_ =	swait.ge [sflag:s16], $0x2800  }
0x5c: {  	[sflag:s16] =	ssyncset.done $0x0  }
0x5d: {  	[sflag:s16] =	ssyncadd.s32 $0xFFFFD800  }
0x5e: {  	[spmem:s1] =	stream.indirect.scatter.add.f32 [tilespmem:s19], [sflag:$0x3], $0x80, s23, s18, $0xb8;
	[tilespmem:$0x1D780] =	vst v63  }
0x5f: {  	_ =	swait.ge [sflag:s21], $0x2800  }
0x60: {  	[sflag:s21] =	ssyncset.done $0x0  }
0x61: {  	[sflag:s21] =	ssyncadd.s32 $0xFFFFD800  }
0x62: {  	[bflag:$0x0] =	sbarrier.arrive $0xFFFF  }
0x63: {  	[hbm:s9], [sflag:s7] =	dma.local [spmem:s13], $0x2700  }
0x64: {  	s24 =	sadd.s32 $0x1, s24;
	_ =	swait.ge [sflag:s14], $0x2700  }
0x65: {  	p1 =	sne.s32 s24, s11;
	[sflag:s14] =	ssyncset.done $0x0  }
.Ltmp1:
0x66: {  	s25 =	simm.s32 @!p0 $0x5;
	[sflag:s14] =	ssyncadd.s32 $0xFFFFD900;
	(pc) =	sbr.rel @p1 .LBB2_1-.Ltmp1, $4  }
0x67: {  	[hbm:s10], [sflag:s7] =	dma.local @!p0 [spmem:s15], $0x100  }
0x68: {  	_ =	swait.ge @!p0 [sflag:s25], $0x100  }
0x69: {  	[sflag:s25] =	ssyncset.done @!p0 $0x0  }
0x6a: {  	[sflag:s25] =	ssyncadd.s32 @!p0 $0xFFFFFF00  }
0x6b: {  	_ =	sfence.sel $0x180000  }
0x6c: {  	[bflag:$0x0] =	sbarrier.arrive $0xFFFF  }
0x6d: {  	_ =	strace $0x9000004D  }
0x6e: {  	s0 =	sadd.s32 @!p0 $0x100000, s0;
	[bflag:$0x2] =	sbarrier.arrive $0xFFFF  }
0x6f: {  	[sflag:s0] =	ssyncadd.tile.s32 @!p0 $0x1;
	_ =	shalt  }
.Lfunc_end2:
_tile_overlayer_lowered:
.L_overlay_start_2:
0x70: {  	(tag) =	ssettag $0x2  }
0x71: {  	s0 =	rddreg [dreg:$0x0];
	s2 =	stileid.u32  }
0x72: {  	s1 =	rddreg [dreg:$0x1];
	p0 =	sne.s32 s2, $0x0  }
0x73: {  	s3 =	rddreg [dreg:$0x2];
	[bflag:$0x3] =	sbarrier.arrive $0xFFFF;
	s2 =	simm.s32 @!p0 $0x1C05  }
0x74: {  	[timem:s3], [sflag:s2] =	dma.local @!p0 [hbm:s0], s1  }
0x75: {  	s0 =	simm.s32 @!p0 $0x5  }
0x76: {  	_ =	swait.ge @!p0 [sflag:s0], s1  }
0x77: {  	s1 =	ssub.s32 @!p0 $0x0, s1;
	[sflag:s0] =	ssyncset.done @!p0 $0x0  }
0x78: {  	[sflag:s0] =	ssyncadd.s32 @!p0 s1  }
0x79: {  	[bflag:$0x3] =	sbarrier.arrive $0xFFFF  }
0x7a: {  	_ =	shalt  }

// kernel: kernel.8.cloned.1.call-start
scs
__scs_entry_jumppad:
0x0: {  	(pc) =	sbr.rel $0x88, $3  }
0x1: {  	(tag) =	ssettag $0x0;
	lr =	simm.s32 $0x1  }
0x2: {  	[smem:$0x3F97] =	sst lr;
	_ =	strace $0xD0000000  }
0x3: {  	_ = 	snop  }
0x4: {  	_ = 	snop  }
0x5: {  	_ = 	snop  }
0x6: {  	_ = 	snop  }
0x7: {  	_ = 	snop  }
__scs_overlays_trampoline_lowered:
0x8: {  	[smem:$0x3FA6] =	sst s0  }
0x9: {  	[smem:$0x3FA7] =	sst s1  }
0xa: {  	[smem:$0x3FA8] =	sst s2  }
0xb: {  	[smem:$0x3FA9] =	sst s3  }
0xc: {  	[smem:$0x3FAA] =	sst s4  }
0xd: {  	[smem:$0x3FAB] =	sst s5  }
0xe: {  	[smem:$0x3FAC] =	sst s6  }
0xf: {  	[smem:$0x3FAD] =	sst s7  }
0x10: {  	[smem:$0x3FAE] =	sst s8  }
0x11: {  	[smem:$0x3FAF] =	sst s9;
	s0 =	simm.s32 @!p0 $0x0  }
0x12: {  	s1 =	sld [smem:$0x3F95];
	s0 =	simm.s32 @p0 $0x1  }
0x13: {  	[smem:$0x3FB0] =	sst s0;
	s0 =	simm.s32 @!p1 $0x0  }
0x14: {  	s2 =	sld [smem:$0x3F94];
	s0 =	simm.s32 @p1 $0x1  }
0x15: {  	[smem:$0x3FB1] =	sst s0;
	s0 =	simm.s32 @!p2 $0x0  }
0x16: {  	s3 =	sld [smem:$0x3FDB];
	s0 =	simm.s32 @p2 $0x1  }
0x17: {  	s4 =	simm.s32 $0x1BF5;
	[smem:$0x3FB3] =	sst s0  }
0x18: {  	s0 =	sld [smem:$0x3F96];
	_ =	swait.ge [sflag:s4], $0x0  }
0x19: {  	s7 =	sld [smem:$0x3F97]  }
0x1a: {  	s8 =	sadd.s32 $0xFFFFE003, lr  }
0x1b: {  	s9 =	sadd.s32 $0xFFFFFEF7, lr;
	s5 =	simm.s32 $0xFFFFFFFF;
	p2 =	slt.u32 s8, $0xFFFFF086  }
0x1c: {  	p1 =	slt.u32 s9, $0xF7A;
	s5 =	simm.s32 @!p2 $0x0  }
0x1d: {  	s5 =	simm.s32 @p1 $0x1;
	p0 =	seq.s32 s7, s2  }
0x1e: {  	s7 =	smul.u32 @!p0 $0xF7A, s2;
	p2 =	seq.s32 @!p0 s5, $0x0  }
0x1f: {  	s9 =	smul.u32 $0xF7A, s1;
	s8 =	simm.s32 @!p0 $0x1BF5;
	p2 =	por !p2, p0  }
0x20: {  	[sflag:s8] =	ssyncset.s32 @!p0 $0xFFFFF086;
	s6 =	sadd.s32 @!p0 s3, s7;
	s7 =	simm.s32 @!p0 $0x108  }
0x21: {  	s3 =	sadd.s32 s3, s9;
	s6 =	sadd.s32 @!p0 $0x88, s6;
	s7 =	simm.s32 @p2 $0x1082  }
0x22: {  	[simem:s7], [sflag:s8] =	dma.local @!p0 [hbm:s6], $0xF7A  }
0x23: {  	s9 =	sor.u32 $0xD0000000, s2;
	s6 =	simm.s32 $0x108;
	_ =	swait.ge @!p0 [sflag:s8], $0x0  }
0x24: {  	s3 =	sadd.s32 $0x88, s3;
	s6 =	simm.s32 @!p1 $0x1082;
	[sflag:s4] =	ssyncset.s32 $0xFFFFF086  }
0x25: {  	[simem:s6], [sflag:s4] =	dma.local [hbm:s3], $0xF7A  }
0x26: {  	[smem:$0x3F97] =	sst s1;
	(tag) =	ssettag s2;
	_ =	strace s9  }
0x27: {  	s1 =	sld [smem:$0x3FA7]  }
0x28: {  	s2 =	sld [smem:$0x3FA8]  }
0x29: {  	s4 =	sld [smem:$0x3FAA]  }
0x2a: {  	p0 =	seq.s32 s5, $0x0;
	s5 =	sld [smem:$0x3FAB]  }
0x2b: {  	s6 =	sld [smem:$0x3FAC]  }
0x2c: {  	s7 =	sld [smem:$0x3FAD]  }
0x2d: {  	s3 =	simm.s32 $0x108;
	s8 =	sld [smem:$0x3FAE]  }
0x2e: {  	s3 =	simm.s32 @!p0 $0x1082;
	s9 =	sld [smem:$0x3FAF]  }
0x2f: {  	lr =	sadd.s32 s0, s3;
	s0 =	sld [smem:$0x3FA6]  }
0x30: {  	s3 =	sld [smem:$0x3FA9]  }
0x31: {  	[smem:$0x3FB2] =	sst s10  }
0x32: {  	s10 =	sld [smem:$0x3FB0];
	_ =	sdelay $0x3  }
0x33: {  	p0 =	seq.s32 s10, $0x1;
	s10 =	sld [smem:$0x3FB2];
	_ =	sdelay $0x3  }
0x34: {  	[smem:$0x3FB2] =	sst s10  }
0x35: {  	s10 =	sld [smem:$0x3FB1];
	_ =	sdelay $0x3  }
0x36: {  	p1 =	seq.s32 s10, $0x1;
	s10 =	sld [smem:$0x3FB2];
	_ =	sdelay $0x3  }
0x37: {  	[smem:$0x3FB2] =	sst s10  }
0x38: {  	s10 =	sld [smem:$0x3FB3]  }
0x39: {  	_ = 	snop;
	(pc) =	sbr.ind lr, $3  }
0x3a: {  	_ = 	snop  }
0x3b: {  	_ = 	snop  }
0x3c: {  	p2 =	seq.s32 s10, $0x1;
	s10 =	sld [smem:$0x3FB2]  }
0x3d: {  	_ =	shalt  }
0x3e: {  	_ =	shalt  }
0x3f: {  	_ =	shalt  }
0x40: {  	_ =	shalt  }
0x41: {  	_ =	shalt  }
0x42: {  	_ =	shalt  }
0x43: {  	_ =	shalt  }
0x44: {  	_ =	shalt  }
0x45: {  	_ =	shalt  }
0x46: {  	_ =	shalt  }
0x47: {  	_ =	shalt  }
0x48: {  	_ =	shalt  }
0x49: {  	_ =	shalt  }
0x4a: {  	_ =	shalt  }
0x4b: {  	_ =	shalt  }
0x4c: {  	_ =	shalt  }
0x4d: {  	_ =	shalt  }
0x4e: {  	_ =	shalt  }
0x4f: {  	_ =	shalt  }
0x50: {  	_ =	shalt  }
0x51: {  	_ =	shalt  }
0x52: {  	_ =	shalt  }
0x53: {  	_ =	shalt  }
0x54: {  	_ =	shalt  }
0x55: {  	_ =	shalt  }
0x56: {  	_ =	shalt  }
0x57: {  	_ =	shalt  }
0x58: {  	_ =	shalt  }
0x59: {  	_ =	shalt  }
0x5a: {  	_ =	shalt  }
0x5b: {  	_ =	shalt  }
0x5c: {  	_ =	shalt  }
0x5d: {  	_ =	shalt  }
0x5e: {  	_ =	shalt  }
0x5f: {  	_ =	shalt  }
0x60: {  	_ =	shalt  }
0x61: {  	_ =	shalt  }
0x62: {  	_ =	shalt  }
0x63: {  	_ =	shalt  }
0x64: {  	_ =	shalt  }
0x65: {  	_ =	shalt  }
0x66: {  	_ =	shalt  }
0x67: {  	_ =	shalt  }
0x68: {  	_ =	shalt  }
0x69: {  	_ =	shalt  }
0x6a: {  	_ =	shalt  }
0x6b: {  	_ =	shalt  }
0x6c: {  	_ =	shalt  }
0x6d: {  	_ =	shalt  }
0x6e: {  	_ =	shalt  }
0x6f: {  	_ =	shalt  }
0x70: {  	_ =	shalt  }
0x71: {  	_ =	shalt  }
0x72: {  	_ =	shalt  }
0x73: {  	_ =	shalt  }
0x74: {  	_ =	shalt  }
0x75: {  	_ =	shalt  }
0x76: {  	_ =	shalt  }
0x77: {  	_ =	shalt  }
0x78: {  	_ =	shalt  }
0x79: {  	_ =	shalt  }
0x7a: {  	_ =	shalt  }
0x7b: {  	_ =	shalt  }
0x7c: {  	_ =	shalt  }
0x7d: {  	_ =	shalt  }
0x7e: {  	_ =	shalt  }
0x7f: {  	_ =	shalt  }
0x80: {  	_ =	shalt  }
0x81: {  	_ =	shalt  }
0x82: {  	_ =	shalt  }
0x83: {  	_ =	shalt  }
0x84: {  	_ =	shalt  }
0x85: {  	_ =	shalt  }
0x86: {  	_ =	shalt  }
0x87: {  	_ =	shalt  }
.Lfunc_end0:
.L_simem_size_0:
called_computation_lowered:
.L_overlay_start_0:
0x88: {  	s2 =	sld [smem:$0x3FD9]  }
0x89: {  	s3 =	sld [smem:$0x3FFE];
	_ =	sdelay $0x1  }
0x8a: {  	s1 =	srdreg.scid  }
0x8b: {  	s0 =	sand.u32 $0x1, s1  }
0x8c: {  	s16 =	sshll.u32 s0, $0xA;
	s2 =	sadd.s32 s3, s2  }
0x8d: {  	s2 =	sadd.s32 s2, s16  }
0x8e: {  	[smem:$0x3FBE] =	sst s2  }
0x8f: {  	_ = 	snop  }
0x90: {  	(tm) =	ssettm $0x1  }
0x91: {  	s17 =	sld [smem:$0x3FFB];
	_ =	sdelay $0x3  }
0x92: {  	_ =	strace s17  }
0x93: {  	s2 =	sld [smem:$0x3FFC];
	_ =	sdelay $0x3  }
0x94: {  	_ =	strace s2  }
0x95: {  	s2 =	sld [smem:$0x3FFD];
	_ =	sdelay $0x3  }
0x96: {  	_ =	strace s2  }
0x97: {  	_ =	strace $0x8FFFFFFF  }
0x98: {  	s18 =	sld [smem:$0x3FDB];
	_ =	sdelay $0x1  }
0x99: {  	s19 =	simm.s32 $_scs_section_size  }
0x9a: {  	s4 =	simm.s32 $_size__tile_overlayer_lowered;
	s5 =	simm.s32 $_tile_overlayer_lowered  }
0x9b: {  	s22 =	simm.s32 $0x1BFF;
	s21 =	sshll.u32 s5, $0x1;
	s2 =	sadd.s32 s19, s18  }
0x9c: {  	s6 =	simm.s32 $0x0;
	s20 =	sshll.u32 s4, $0x1;
	s4 =	sadd.s32 s21, s2  }
0x9d: {  	[timem:s6], [sflag:s22] =	dma.local [hbm:s4], s20  }
0x9e: {  	_ =	swait.ge [sflag:s22], s20  }
0x9f: {  	s3 =	ssub.s32 $0x0, s20;
	[sflag:s22] =	ssyncset.done $0x0  }
0xa0: {  	[sflag:s22] =	ssyncadd.s32 s3;
	_ =	sdelay $0x1  }
0xa1: {  	s23 =	simm.s32 $0x1B8B  }
0xa2: {  	_ =	swait.ge [sflag:s23], $0x1  }
0xa3: {  	[sflag:s23] =	ssyncset.done $0x0  }
0xa4: {  	s25 =	simm.s32 $0x1B8E;
	s24 =	sld [smem:$0x3FFE];
	[sflag:s23] =	ssyncadd.s32 $0xFFFFFFFF  }
0xa5: {  	s26 =	simm.s32 $execute0_lowered;
	[smem:$0x3FD2] =	sst s25  }
0xa6: {  	s4 =	sshll.u32 s26, $0x1;
	_ =	strace $0x80000046;
	[dreg:$0x1] =	wrdreg $0xFFFFFFFF  }
0xa7: {  	s28 =	simm.s32 $_size_execute0_lowered;
	s2 =	sadd.s32 s2, s4;
	[dreg:$0x0] =	wrdreg $0x0  }
0xa8: {  	s4 =	sshll.u32 s28, $0x1;
	[dreg:$0x2] =	wrdreg s2  }
0xa9: {  	[dreg:$0x3] =	wrdreg s4  }
0xaa: {  	[dreg:$0x4] =	wrdreg $0xC0  }
0xab: {  	_ =	task [dreg:s6], $0x5FFFF  }
0xac: {  	[dreg:$0x1] =	wrdreg $0xFFFFFFFF  }
0xad: {  	[dreg:$0x0] =	wrdreg $0x60  }
0xae: {  	[dreg:$0x2] =	wrdreg s24  }
0xaf: {  	[dreg:$0x3] =	wrdreg $0x3C000  }
0xb0: {  	[dreg:$0x4] =	wrdreg $0x9  }
0xb1: {  	_ =	task.clear_ibuf [dreg:s6], $0x5FFFF;
	_ =	strace $0x90000046  }
0xb2: {  	s29 =	simm.s32 $0x9;
	_ =	strace $0x80000048  }
0xb3: {  	_ =	swait.ge [sflag:s29], $0x1  }
0xb4: {  	[sflag:s29] =	ssyncadd.s32 $0xFFFFFFFF  }
0xb5: {  	_ =	strace $0x90000048  }
0xb6: {  	_ =	sfence  }
0xb7: {  	s30 =	sld [smem:$0x0];
	_ =	sdelay $0x2  }
0xb8: {  	s31 =	sshll.u32 s1, $0xD;
	s1 =	sshrl.u32 s1, $0x2  }
0xb9: {  	s3 =	sand.u32 $0x4000, s31;
	s1 =	sadd.s32 s1, s30  }
0xba: {  	s0 =	sor.u32 s3, s0;
	s1 =	sshll.u32 s1, $0x11  }
0xbb: {  	s0 =	sor.u32 s1, s0  }
0xbc: {  	s0 =	sadd.s32 $0x8F2B, s0  }
0xbd: {  	[sflag:s0] =	ssyncadd.remote.s32 $0x1  }
0xbe: {  	_ =	sfence.sel $0xFFFF  }
0xbf: {  	[dreg:$0x0] =	wrdreg $0xFFFFFFFF;
	(pc) =	sbr.abs _section_cstart, $3  }
0xc0: {  	[dreg:$0x1] =	wrdreg $0xFFFFFFFF  }
0xc1: {  	_ =	task.clear_ibuf [dreg:s6], $0x2FFFF;
	_ =	strace $0x9FFFFFFF  }
0xc2: {  	(tm) =	ssettm $0x7FFFFFFF  }
0xc3: {  	_ =	shalt  }
tec
execute0_lowered:
.L_overlay_start_1:
0x0: {  	(tag) =	ssettag $0x1  }
0x1: {  	s0 =	srdreg.scid;
	s5 =	rddreg [dreg:$0x0]  }
0x2: {  	s10 =	stileid.u32;
	s1 =	rddreg [dreg:$0x1]  }
0x3: {  	s2 =	simm.s32 $0x0;
	s16 =	simm.s32 $0x0;
	s4 =	sand.u32 $0x1, s0  }
0x4: {  	[smem:$0x7FF] =	sst s2;
	s8 =	smul.u32 $0x4E000, s10;
	s9 =	sadd.s32 $0x9800, s5  }
0x5: {  	s29 =	sshll.u32 s10, $0x6;
	s13 =	smul.u32 $0x13800, s10;
	s15 =	sadd.s32 $0x138000, s1  }
0x6: {  	p0 =	sne.s32 s10, $0x0;
	s0 =	sshll.u32 s4, $0x4;
	s7 =	ssub.s32 $0x2, s4  }
0x7: {  	s12 =	smul.u32 $0x138800, s4;
	s4 =	sor.u32 $0x1C02, s29;
	s3 =	sor.u32 s10, s0  }
0x8: {  	s0 =	rddreg [dreg:$0x2];
	_ =	strace $0x80000047;
	s11 =	sshrl.u32 s7, $0x1  }
0x9: {  	s28 =	sshrl.u32 s8, $0x2;
	s3 =	smul.u32 $0x271, s3;
	s11 =	ssub.s32 s7, s11  }
0xa: {  	s14 =	sadd.s32 s28, s1;
	s30 =	sadd.s32 s13, s12;
	s31 =	sshrl.u32 s12, $0x3  }
0xb: {  	s12 =	sshrl.u32 @!p0 s15, $0x3;
	s13 =	simm.s32 $0x1400;
	s15 =	simm.s32 $0x1  }
0xc: {  	s7 =	sshrl.u32 s30, $0x3;
	s8 =	sadd.s32 s9, s31;
	s10 =	sshrl.u32 s14, $0x3  }
0xd: {  	s14 =	simm.s32 $0x50;
	s6 =	sadd.s32 s3, s5;
	s3 =	sadd.s32 $0x6C00, s5  }
0xe: {  	s5 =	sadd.s32 $0x9300, s5;
	s7 =	sadd.s32 s9, s7;
	s8 =	sadd.s32 $0x27000, s8  }
0xf: {  	v0 =	vimm.s32 $0x2710;
	s9 =	smax.u32 s11, $0x1;
	s11 =	simm.s32 $0x2;
	s6 =	sadd.s32 $0x1C00, s6  }
.LBB2_1:
0x10: {  	[spmem:s10], [sflag:s4] =	dma.local [hbm:s3], $0x2700  }
0x11: {  	_ =	swait.ge [sflag:s11], $0x2700  }
0x12: {  	[sflag:s11] =	ssyncset.done $0x0  }
0x13: {  	s17 =	simm.s32 @!p0 $0x2;
	[sflag:s11] =	ssyncadd.s32 $0xFFFFD900  }
0x14: {  	[spmem:s12], [sflag:s4] =	dma.local @!p0 [hbm:s3], $0x180  }
0x15: {  	_ =	swait.ge @!p0 [sflag:s17], $0x180  }
0x16: {  	[sflag:s17] =	ssyncset.done @!p0 $0x0  }
0x17: {  	[sflag:s17] =	ssyncadd.s32 @!p0 $0xFFFFFE80  }
0x18: {  	[tilespmem:s13], [sflag:$0x2] =	stream.linear.gather [hbm4b:s5+s2], $0x2800, $0x38;
	[tilespmem:$0x6318] =	vst v63  }
0x19: {  	_ =	swait.ge [sflag:s11], $0x2800  }
0x1a: {  	[sflag:s11] =	ssyncset.done $0x0  }
0x1b: {  	[sflag:s11] =	ssyncadd.s32 $0xFFFFD800  }
0x1c: {  	[tilespmem:$0x13A0] =	vst v0  }
0x1d: {  	[tilespmem:$0x1390] =	vst v0  }
0x1e: {  	[tilespmem:$0x1380] =	vst v0  }
0x1f: {  	[tilespmem:s2], [sflag:$0x2] =	stream.linear.gather [hbm4b:s6+s2], $0x1388, $0x38;
	[tilespmem:$0x6318] =	vst v63  }
0x20: {  	_ =	swait.ge [sflag:s11], $0x1388  }
0x21: {  	[sflag:s11] =	ssyncset.done $0x0  }
0x22: {  	[sflag:s11] =	ssyncadd.s32 $0xFFFFEC78  }
0x23: {  	s17 =	simm.s32 $0x0;
	[bflag:$0x0] =	sbarrier.arrive $0xFFFF  }
.LBB2_2:
0x24: {  	p1 =	sne.s32 s17, $0x4D80  }
.Ltmp0:
0x25: {  	_ = 	snop;
	(pc) =	sbr.rel @p1 .LBB2_2-.Ltmp0, $3  }
0x26: {  	_ =	sdelay $0x1  }
0x27: {  	s18 =	sshra.s32 s17, $0x2;
	s17 =	sadd.s32 $0x140, s17  }
0x28: {  	[spmem:s1] =	stream.indirect.scatter.add.f32 [tilespmem:s13], [sflag:$0x1], $0x10, s18, s14, $0xb8;
	[tilespmem:$0x6318] =	vst v63  }
0x29: {  	_ =	swait.ge [sflag:s15], $0x500  }
0x2a: {  	s17 =	simm.s32 $0x3E;
	[sflag:s15] =	ssyncset.done $0x0  }
.LBB2_4:
0x2b: {  	p1 =	sne.s32 s17, $0x1;
	s17 =	sadd.s32 $0xFFFFFFFF, s17;
	[sflag:s15] =	ssyncadd.s32 $0xFFFFFB00  }
.Ltmp1:
0x2c: {  	(pc) =	sbr.rel @p1 .LBB2_4-.Ltmp1, $3  }
0x2d: {  	_ =	sdelay $0x1  }
0x2e: {  	_ =	swait.ge [sflag:s15], $0x500  }
0x2f: {  	[sflag:s15] =	ssyncset.done $0x0  }
0x30: {  	[sflag:s15] =	ssyncadd.s32 $0xFFFFFB00  }
0x31: {  	[bflag:$0x0] =	sbarrier.arrive $0xFFFF  }
0x32: {  	[hbm:s7], [sflag:s4] =	dma.local [spmem:s10], $0x2700  }
0x33: {  	s16 =	sadd.s32 $0x1, s16;
	_ =	swait.ge [sflag:s11], $0x2700  }
0x34: {  	p1 =	sne.s32 s16, s9;
	[sflag:s11] =	ssyncset.done $0x0  }
.Ltmp2:
0x35: {  	s17 =	simm.s32 @!p0 $0x2;
	[sflag:s11] =	ssyncadd.s32 $0xFFFFD900;
	(pc) =	sbr.rel @p1 .LBB2_1-.Ltmp2, $4  }
0x36: {  	[hbm:s8], [sflag:s4] =	dma.local @!p0 [spmem:s12], $0x100  }
0x37: {  	_ =	swait.ge @!p0 [sflag:s17], $0x100  }
0x38: {  	[sflag:s17] =	ssyncset.done @!p0 $0x0  }
0x39: {  	[sflag:s17] =	ssyncadd.s32 @!p0 $0xFFFFFF00  }
0x3a: {  	_ =	sfence.sel $0x180000  }
0x3b: {  	[bflag:$0x0] =	sbarrier.arrive $0xFFFF  }
0x3c: {  	_ =	strace $0x90000047  }
0x3d: {  	s0 =	sadd.s32 @!p0 $0x100000, s0;
	[bflag:$0x2] =	sbarrier.arrive $0xFFFF  }
0x3e: {  	[sflag:s0] =	ssyncadd.tile.s32 @!p0 $0x1;
	_ =	shalt  }
.Lfunc_end2:
_tile_overlayer_lowered:
.L_overlay_start_2:
0x3f: {  	(tag) =	ssettag $0x2  }
0x40: {  	s0 =	rddreg [dreg:$0x0];
	s2 =	stileid.u32  }
0x41: {  	s1 =	rddreg [dreg:$0x1];
	p0 =	sne.s32 s2, $0x0  }
0x42: {  	s3 =	rddreg [dreg:$0x2];
	[bflag:$0x3] =	sbarrier.arrive $0xFFFF;
	s2 =	simm.s32 @!p0 $0x1C02  }
0x43: {  	[timem:s3], [sflag:s2] =	dma.local @!p0 [hbm:s0], s1  }
0x44: {  	s0 =	simm.s32 @!p0 $0x2  }
0x45: {  	_ =	swait.ge @!p0 [sflag:s0], s1  }
0x46: {  	s1 =	ssub.s32 @!p0 $0x0, s1;
	[sflag:s0] =	ssyncset.done @!p0 $0x0  }
0x47: {  	[sflag:s0] =	ssyncadd.s32 @!p0 s1  }
0x48: {  	[bflag:$0x3] =	sbarrier.arrive $0xFFFF  }
0x49: {  	_ =	shalt  }

</sc_bundles>
